<compile_context>
chip_gen: v7x
topology: tpu7x:2x2x1
jax: 0.10.2.dev20260603
libtpu: 0.0.44.dev20260713+nightly
codegen_flags: <defaults>
</compile_context>

<pallas_src>
import dataclasses
import functools

import jax
import jax.numpy as jnp
from jax import lax
from jax.experimental import pallas as pl
from jax.experimental.pallas import tpu as pltpu
from jax.experimental.pallas import tpu_sc as plsc

_N = 320000
_D = 128
_S = 512
_NC = 2
_NS = 16
_NW = _NC * _NS
_LANES = 16

_SC_ROWS = 204800
_BT = 3200
_CH = 160
_RPT = _SC_ROWS // _NW
_NCH = _RPT // _CH

_TC_B = 1280
_TC_OFF = _SC_ROWS // _TC_B
_TC_NB = (_N - _SC_ROWS) // _TC_B


def _z_body(x_ref, w1_ref, b1_ref, z_ref):
    z_ref[...] = jnp.maximum(
        jnp.dot(x_ref[...], w1_ref[...], preferred_element_type=jnp.float32)
        + b1_ref[...], 0.0)


def _tc_z(x, w1, b1):
    return pl.pallas_call(
        _z_body,
        grid=(_SC_ROWS // _BT,),
        in_specs=[
            pl.BlockSpec((_BT, _D), lambda i: (i, 0)),
            pl.BlockSpec((_D, _D), lambda i: (0, 0)),
            pl.BlockSpec((1, _D), lambda i: (0, 0)),
        ],
        out_specs=pl.BlockSpec((_BT, _D), lambda i: (i, 0)),
        out_shape=jax.ShapeDtypeStruct((_SC_ROWS, _D), jnp.float32),
    )(x, w1, b1)


_vmesh = plsc.VectorSubcoreMesh(core_axis_name="c", subcore_axis_name="s")

_sc_params = pltpu.CompilerParams()
if "needs_layout_passes" in pltpu.CompilerParams.__dataclass_fields__:
    _sc_params = dataclasses.replace(_sc_params, needs_layout_passes=False)


@functools.partial(
    pl.kernel,
    out_type=[
        jax.ShapeDtypeStruct((_NC, _S, _D), jnp.float32),
        jax.ShapeDtypeStruct((_NW, _S, _LANES), jnp.float32),
    ],
    mesh=_vmesh,
    compiler_params=_sc_params,
    scratch_types=[
        pltpu.VMEM((_CH, _D), jnp.float32),
        pltpu.VMEM((_CH, _D), jnp.float32),
        pltpu.VMEM((_CH,), jnp.int32),
        pltpu.VMEM((_CH,), jnp.int32),
        pltpu.VMEM((_S, _LANES), jnp.float32),
        pltpu.VMEM_SHARED((_S, _D), jnp.float32),
        pltpu.SemaphoreType.DMA,
        pltpu.SemaphoreType.DMA,
        pltpu.SemaphoreType.DMA,
        pltpu.SemaphoreType.DMA,
    ],
)
def _sc_reduce(z_hbm, ids_hbm, psum_hbm, pcnt_hbm, buf0, buf1, ids0, ids1,
               cntl, sacc, zs0, zs1, is0, is1):
    cid = lax.axis_index("c")
    sid = lax.axis_index("s")
    wid = sid * _NC + cid
    base = wid * _RPT
    iota16 = lax.broadcasted_iota(jnp.int32, (_LANES,), 0)
    ones16 = jnp.ones((_LANES,), jnp.float32)
    bufs, idss, zsems, isems = (buf0, buf1), (ids0, ids1), (zs0, zs1), (is0, is1)

    @pl.loop(0, _S)
    def _zc(r):
        cntl.at[r, pl.ds(0, _LANES)][...] = jnp.zeros((_LANES,), jnp.float32)

    @pl.loop(0, _CH)
    def _fill(r):
        for c in range(_D // _LANES):
            buf0.at[r, pl.ds(c * _LANES, _LANES)][...] = (
                jnp.zeros((_LANES,), jnp.float32))

    @pl.when(sid == 0)
    def _init_shared():
        for q in range(_S // _CH + (1 if _S % _CH else 0)):
            n = min(_CH, _S - q * _CH)
            pltpu.sync_copy(buf0.at[pl.ds(0, n)], sacc.at[pl.ds(q * _CH, n)])

    plsc.subcore_barrier()

    def _start_load(k, b):
        off = base + k * _CH
        pltpu.async_copy(z_hbm.at[pl.ds(off, _CH)], bufs[b], zsems[b])
        pltpu.async_copy(ids_hbm.at[pl.ds(off, _CH)], idss[b], isems[b])

    def _wait_load(k, b):
        off = base + k * _CH
        pltpu.make_async_copy(z_hbm.at[pl.ds(off, _CH)], bufs[b],
                              zsems[b]).wait()
        pltpu.make_async_copy(ids_hbm.at[pl.ds(off, _CH)], idss[b],
                              isems[b]).wait()

    def _consume(b):
        pltpu.sync_copy(bufs[b], sacc.at[idss[b]], add=True)

        @pl.loop(0, _CH // _LANES)
        def _cnt(g):
            ids16 = idss[b].at[pl.ds(g * _LANES, _LANES)][...]
            plsc.addupdate_scatter(cntl, [ids16, iota16], ones16)

    _start_load(0, 0)

    @pl.loop(0, _NCH, step=2)
    def _chunk(k):
        _wait_load(k, 0)
        _start_load(k + 1, 1)
        _consume(0)
        _wait_load(k + 1, 1)

        @pl.when(k + 2 < _NCH)
        def _pref():
            _start_load(k + 2, 0)
        _consume(1)

    plsc.subcore_barrier()
    pltpu.sync_copy(cntl, pcnt_hbm.at[wid])

    @pl.when(sid == 0)
    def _writeback():
        pltpu.sync_copy(sacc, psum_hbm.at[cid])


def _oh_body(x_ref, ids_ref, w1_ref, b1_ref, acc_out, cnt_out,
             acc_ref, cnt_ref):
    i = pl.program_id(0)
    nb = pl.num_programs(0)

    @pl.when(i == 0)
    def _init():
        acc_ref[...] = jnp.zeros_like(acc_ref)
        cnt_ref[...] = jnp.zeros_like(cnt_ref)

    y = jnp.maximum(
        jnp.dot(x_ref[...], w1_ref[...], preferred_element_type=jnp.float32)
        + b1_ref[...], 0.0)

    ids = ids_ref[0, 0, :].reshape(1, _TC_B)
    eq = ids == lax.broadcasted_iota(jnp.int32, (_S, _TC_B), 0)
    oht = eq.astype(jnp.bfloat16)

    acc_ref[...] += jnp.dot(oht, y.astype(jnp.bfloat16),
                            preferred_element_type=jnp.float32)
    cnt_ref[...] += jnp.sum(eq.astype(jnp.float32), axis=1, keepdims=True)

    @pl.when(i == nb - 1)
    def _finish():
        acc_out[...] = acc_ref[...]
        cnt_out[...] = cnt_ref[...]


def _tc_onehot(x, ids3, w1, b1):
    return pl.pallas_call(
        _oh_body,
        grid=(_TC_NB,),
        in_specs=[
            pl.BlockSpec((_TC_B, _D), lambda i: (i + _TC_OFF, 0)),
            pl.BlockSpec((1, 1, _TC_B), lambda i: (i + _TC_OFF, 0, 0)),
            pl.BlockSpec((_D, _D), lambda i: (0, 0)),
            pl.BlockSpec((1, _D), lambda i: (0, 0)),
        ],
        out_specs=[
            pl.BlockSpec((_S, _D), lambda i: (0, 0)),
            pl.BlockSpec((_S, 1), lambda i: (0, 0)),
        ],
        out_shape=[
            jax.ShapeDtypeStruct((_S, _D), jnp.float32),
            jax.ShapeDtypeStruct((_S, 1), jnp.float32),
        ],
        scratch_shapes=[
            pltpu.VMEM((_S, _D), jnp.float32),
            pltpu.VMEM((_S, 1), jnp.float32),
        ],
    )(x, ids3, w1, b1)


def _fin_body(ps_ref, pc_ref, acc_tc_ref, cnt_tc_ref, w2_ref, b2_ref,
              out_ref):
    acc = jnp.sum(ps_ref[...], axis=0) + acc_tc_ref[...]
    cnt = jnp.sum(pc_ref[...], axis=(0, 2))[:, None] + cnt_tc_ref[...]
    pooled = acc / jnp.maximum(cnt, 1.0)
    out_ref[...] = (
        jnp.dot(pooled, w2_ref[...], preferred_element_type=jnp.float32)
        + b2_ref[...])


def _tc_fin(ps, pc, acc_tc, cnt_tc, w2, b2):
    return pl.pallas_call(
        _fin_body,
        in_specs=[
            pl.BlockSpec((_NC, _S, _D), lambda: (0, 0, 0)),
            pl.BlockSpec((_NW, _S, _LANES), lambda: (0, 0, 0)),
            pl.BlockSpec((_S, _D), lambda: (0, 0)),
            pl.BlockSpec((_S, 1), lambda: (0, 0)),
            pl.BlockSpec((_D, _D), lambda: (0, 0)),
            pl.BlockSpec((1, _D), lambda: (0, 0)),
        ],
        out_specs=pl.BlockSpec((_S, _D), lambda: (0, 0)),
        out_shape=jax.ShapeDtypeStruct((_S, _D), jnp.float32),
    )(ps, pc, acc_tc, cnt_tc, w2, b2)


def kernel(input, batch, emb_weight, emb_bias, mlp_weight, mlp_bias):
    ids = batch.astype(jnp.int32)
    b1 = emb_bias.reshape(1, _D)
    z = _tc_z(input, emb_weight, b1)
    ids3 = ids.reshape(_N // _TC_B, 1, _TC_B)
    ps, pc = _sc_reduce(z, ids)
    acc_tc, cnt_tc = _tc_onehot(input, ids3, emb_weight, b1)
    return _tc_fin(ps, pc, acc_tc, cnt_tc, mlp_weight,
                   mlp_bias.reshape(1, _D))

# --- scband reference (transcript-rebuilt; emitter-appended) ---
"""Pipeline reference for scband-mlp-32985348833733 (READ-ONLY COPY).

The authoritative reference and input builder live on the scoring server;
editing this copy changes nothing except your own understanding.
"""

import jax, jax.numpy as jnp
import numpy as np

N = 320000
D_IN = 128
D_OUT = 128
NUM_SEGMENTS = 512

def _glorot(key, shape):
    limit = float(np.sqrt(6.0 / (shape[0] + shape[1])))
    return jax.random.uniform(key, shape, minval=-limit, maxval=limit, dtype=jnp.float32)

def setup_inputs(seed: int = 0) -> dict:
    key = jax.random.key(seed)
    k1, k2, k3, k4 = jax.random.split(key, 4)
    x = jax.random.normal(k1, (N, D_IN), dtype=jnp.float32)
    batch = jnp.sort(jax.random.randint(k2, (N,), 0, NUM_SEGMENTS)).astype(jnp.int64)
    emb_weight = _glorot(k3, (D_IN, D_IN))
    emb_bias = jnp.zeros((D_IN,), dtype=jnp.float32)
    mlp_weight = _glorot(k4, (D_IN, D_OUT))
    mlp_bias = jnp.zeros((D_OUT,), dtype=jnp.float32)
    return {"input": x, "batch": batch, "emb_weight": emb_weight, "emb_bias": emb_bias, "mlp_weight": mlp_weight, "mlp_bias": mlp_bias}

def reference(input, batch, emb_weight, emb_bias, mlp_weight, mlp_bias):
    # global_pooling: act(x @ emb_weight + emb_bias), then global_mean_pool over batch ids
    x_emb = jax.nn.relu(jnp.matmul(input, emb_weight) + emb_bias)
    seg_sum = jax.ops.segment_sum(x_emb, batch, num_segments=NUM_SEGMENTS)
    counts = jax.ops.segment_sum(jnp.ones((input.shape[0],), dtype=jnp.float32), batch, num_segments=NUM_SEGMENTS)
    pooled = seg_sum / jnp.clip(counts, 1.0, None)[:, None]
    # dropout with p=0 in eval/train is identity
    out = jnp.matmul(pooled, mlp_weight) + mlp_bias
    return out

if __name__ == "__main__":
    import jax
    _d = setup_inputs()
    print(jax.jit(kernel)(*tuple(_d.values())))

</pallas_src>

<mosaic_0001>
#map = affine_map<(d0, d1) -> (0, 0)>
#map1 = affine_map<(d0, d1) -> (0)>
#map2 = affine_map<(d0, d1) -> (0, 0, 0)>
module attributes {stable_mosaic.version = 14 : i64} {
  func.func @_sc_reduce(%arg0: i32, %arg1: i32, %arg2: memref<204800x128xf32, #tpu.memory_space<hbm>>, %arg3: memref<320000xi32, #tpu.memory_space<hbm>>, %arg4: memref<2x512x128xf32, #tpu.memory_space<hbm>>, %arg5: memref<32x512x16xf32, #tpu.memory_space<hbm>>, %arg6: memref<160x128xf32, #tpu.memory_space<vmem>>, %arg7: memref<160x128xf32, #tpu.memory_space<vmem>>, %arg8: memref<160xi32, #tpu.memory_space<vmem>>, %arg9: memref<160xi32, #tpu.memory_space<vmem>>, %arg10: memref<512x16xf32, #tpu.memory_space<vmem>>, %arg11: memref<512x128xf32, #tpu.memory_space<vmem_shared>>, %arg12: memref<!tpu.dma_semaphore, #tpu.memory_space<semaphore_mem>>, %arg13: memref<!tpu.dma_semaphore, #tpu.memory_space<semaphore_mem>>, %arg14: memref<!tpu.dma_semaphore, #tpu.memory_space<semaphore_mem>>, %arg15: memref<!tpu.dma_semaphore, #tpu.memory_space<semaphore_mem>>) attributes {dimension_semantics = [#tpu.dimension_semantics<core_parallel>, #tpu.dimension_semantics<subcore_parallel>], iteration_bounds = array<i64: 2, 16>, scalar_prefetch = 0 : i64, scratch_operands = 10 : i64, tpu.core_type = #tpu.core_type<sc_vector_subcore>, window_params = [{transform_indices = #map}, {transform_indices = #map1}, {transform_indices = #map2}, {transform_indices = #map2}]} {
    %mul3A = arith.constant 2 : i32
    %mul3A_0 = arith.muli %arg1, %mul3A : i32
    %add3A = arith.addi %mul3A_0, %arg0 : i32
    %mul3A_1 = arith.constant 6400 : i32
    %mul3A_2 = arith.muli %add3A, %mul3A_1 : i32
    %iota3A = tpu.iota {dimensions = array<i32: 0>} : vector<16xi32>
    %broadcast_in_dim3A = arith.constant 1.000000e+00 : f32
    %broadcast_in_dim3A_3 = vector.broadcast %broadcast_in_dim3A : f32 to vector<16xf32>
    %scan3A = arith.constant 0 : i32
    %scan3A_4 = arith.constant 512 : i32
    %scan3A_5 = arith.addi %scan3A, %scan3A_4 : i32
    %scan3A_6 = arith.constant 1 : i32
    scf.for %scan3A_33 = %scan3A to %scan3A_5 step %scan3A_6  : i32 {
      %mul3A_34 = arith.constant 1 : i32
      %mul3A_35 = arith.muli %scan3A_33, %mul3A_34 : i32
      %add3A_36 = arith.constant 0 : i32
      %add3A_37 = arith.addi %add3A_36, %mul3A_35 : i32
      %broadcast_in_dim3A_38 = arith.constant 0.000000e+00 : f32
      %broadcast_in_dim3A_39 = vector.broadcast %broadcast_in_dim3A_38 : f32 to vector<16xf32>
      %swap3A = arith.index_cast %add3A_37 : i32 to index
      %swap3A_40 = arith.constant 0 : index
      %swap3A_41 = tpu.vector_load %arg10[%swap3A, %swap3A_40] {strides = array<i32>} : memref<512x16xf32, #tpu.memory_space<vmem>>, vector<16xf32>,
      tpu.vector_store %arg10[%swap3A, %swap3A_40], %broadcast_in_dim3A_39 {strides = array<i32>} : memref<512x16xf32, #tpu.memory_space<vmem>>, vector<16xf32>,
    }
    %scan3A_7 = arith.constant 512 : i32
    %scan3A_8 = arith.constant 0 : i32
    %scan3A_9 = arith.constant 160 : i32
    %scan3A_10 = arith.addi %scan3A_8, %scan3A_9 : i32
    %scan3A_11 = arith.constant 1 : i32
    scf.for %scan3A_33 = %scan3A_8 to %scan3A_10 step %scan3A_11  : i32 {
      %mul3A_34 = arith.constant 1 : i32
      %mul3A_35 = arith.muli %scan3A_33, %mul3A_34 : i32
      %add3A_36 = arith.constant 0 : i32
      %add3A_37 = arith.addi %add3A_36, %mul3A_35 : i32
      %broadcast_in_dim3A_38 = arith.constant 0.000000e+00 : f32
      %broadcast_in_dim3A_39 = vector.broadcast %broadcast_in_dim3A_38 : f32 to vector<16xf32>
      %swap3A = arith.index_cast %add3A_37 : i32 to index
      %swap3A_40 = arith.constant 0 : index
      %swap3A_41 = tpu.vector_load %arg6[%swap3A, %swap3A_40] {strides = array<i32>} : memref<160x128xf32, #tpu.memory_space<vmem>>, vector<16xf32>,
      tpu.vector_store %arg6[%swap3A, %swap3A_40], %broadcast_in_dim3A_39 {strides = array<i32>} : memref<160x128xf32, #tpu.memory_space<vmem>>, vector<16xf32>,
      %broadcast_in_dim3A_42 = arith.constant 0.000000e+00 : f32
      %broadcast_in_dim3A_43 = vector.broadcast %broadcast_in_dim3A_42 : f32 to vector<16xf32>
      %swap3A_44 = arith.index_cast %add3A_37 : i32 to index
      %swap3A_45 = arith.constant 16 : index
      %swap3A_46 = tpu.vector_load %arg6[%swap3A_44, %swap3A_45] {strides = array<i32>} : memref<160x128xf32, #tpu.memory_space<vmem>>, vector<16xf32>,
      tpu.vector_store %arg6[%swap3A_44, %swap3A_45], %broadcast_in_dim3A_43 {strides = array<i32>} : memref<160x128xf32, #tpu.memory_space<vmem>>, vector<16xf32>,
      %broadcast_in_dim3A_47 = arith.constant 0.000000e+00 : f32
      %broadcast_in_dim3A_48 = vector.broadcast %broadcast_in_dim3A_47 : f32 to vector<16xf32>
      %swap3A_49 = arith.index_cast %add3A_37 : i32 to index
      %swap3A_50 = arith.constant 32 : index
      %swap3A_51 = tpu.vector_load %arg6[%swap3A_49, %swap3A_50] {strides = array<i32>} : memref<160x128xf32, #tpu.memory_space<vmem>>, vector<16xf32>,
      tpu.vector_store %arg6[%swap3A_49, %swap3A_50], %broadcast_in_dim3A_48 {strides = array<i32>} : memref<160x128xf32, #tpu.memory_space<vmem>>, vector<16xf32>,
      %broadcast_in_dim3A_52 = arith.constant 0.000000e+00 : f32
      %broadcast_in_dim3A_53 = vector.broadcast %broadcast_in_dim3A_52 : f32 to vector<16xf32>
      %swap3A_54 = arith.index_cast %add3A_37 : i32 to index
      %swap3A_55 = arith.constant 48 : index
      %swap3A_56 = tpu.vector_load %arg6[%swap3A_54, %swap3A_55] {strides = array<i32>} : memref<160x128xf32, #tpu.memory_space<vmem>>, vector<16xf32>,
      tpu.vector_store %arg6[%swap3A_54, %swap3A_55], %broadcast_in_dim3A_53 {strides = array<i32>} : memref<160x128xf32, #tpu.memory_space<vmem>>, vector<16xf32>,
      %broadcast_in_dim3A_57 = arith.constant 0.000000e+00 : f32
      %broadcast_in_dim3A_58 = vector.broadcast %broadcast_in_dim3A_57 : f32 to vector<16xf32>
      %swap3A_59 = arith.index_cast %add3A_37 : i32 to index
      %swap3A_60 = arith.constant 64 : index
      %swap3A_61 = tpu.vector_load %arg6[%swap3A_59, %swap3A_60] {strides = array<i32>} : memref<160x128xf32, #tpu.memory_space<vmem>>, vector<16xf32>,
      tpu.vector_store %arg6[%swap3A_59, %swap3A_60], %broadcast_in_dim3A_58 {strides = array<i32>} : memref<160x128xf32, #tpu.memory_space<vmem>>, vector<16xf32>,
      %broadcast_in_dim3A_62 = arith.constant 0.000000e+00 : f32
      %broadcast_in_dim3A_63 = vector.broadcast %broadcast_in_dim3A_62 : f32 to vector<16xf32>
      %swap3A_64 = arith.index_cast %add3A_37 : i32 to index
      %swap3A_65 = arith.constant 80 : index
      %swap3A_66 = tpu.vector_load %arg6[%swap3A_64, %swap3A_65] {strides = array<i32>} : memref<160x128xf32, #tpu.memory_space<vmem>>, vector<16xf32>,
      tpu.vector_store %arg6[%swap3A_64, %swap3A_65], %broadcast_in_dim3A_63 {strides = array<i32>} : memref<160x128xf32, #tpu.memory_space<vmem>>, vector<16xf32>,
      %broadcast_in_dim3A_67 = arith.constant 0.000000e+00 : f32
      %broadcast_in_dim3A_68 = vector.broadcast %broadcast_in_dim3A_67 : f32 to vector<16xf32>
      %swap3A_69 = arith.index_cast %add3A_37 : i32 to index
      %swap3A_70 = arith.constant 96 : index
      %swap3A_71 = tpu.vector_load %arg6[%swap3A_69, %swap3A_70] {strides = array<i32>} : memref<160x128xf32, #tpu.memory_space<vmem>>, vector<16xf32>,
      tpu.vector_store %arg6[%swap3A_69, %swap3A_70], %broadcast_in_dim3A_68 {strides = array<i32>} : memref<160x128xf32, #tpu.memory_space<vmem>>, vector<16xf32>,
      %broadcast_in_dim3A_72 = arith.constant 0.000000e+00 : f32
      %broadcast_in_dim3A_73 = vector.broadcast %broadcast_in_dim3A_72 : f32 to vector<16xf32>
      %swap3A_74 = arith.index_cast %add3A_37 : i32 to index
      %swap3A_75 = arith.constant 112 : index
      %swap3A_76 = tpu.vector_load %arg6[%swap3A_74, %swap3A_75] {strides = array<i32>} : memref<160x128xf32, #tpu.memory_space<vmem>>, vector<16xf32>,
      tpu.vector_store %arg6[%swap3A_74, %swap3A_75], %broadcast_in_dim3A_73 {strides = array<i32>} : memref<160x128xf32, #tpu.memory_space<vmem>>, vector<16xf32>,
    }
    %scan3A_12 = arith.constant 160 : i32
    %eq3A = arith.constant 0 : i32
    %eq3A_13 = arith.cmpi eq, %arg1, %eq3A : i32
    %convert_element_type3A = arith.extui %eq3A_13 : i1 to i32
    %cond3A = arith.constant 0 : i32
    %cond3A_14 = arith.cmpi ne, %convert_element_type3A, %cond3A : i32
    scf.if %cond3A_14 {
      "tpu.region"() ({
        %run_scoped3A = tpu.sem_alloc : memref<!tpu.dma_semaphore, #tpu.memory_space<semaphore_mem>>
        %dma_start3A_33 = arith.constant 0 : i32
        %dma_start3A_34 = arith.constant 0 : i32
        %dma_start3A_35 = tpu.memref_slice %arg6[%dma_start3A_33, %dma_start3A_34] : memref<160x128xf32, #tpu.memory_space<vmem>> -> memref<160x128xf32, #tpu.memory_space<vmem>>
        %dma_start3A_36 = arith.constant 0 : i32
        %dma_start3A_37 = arith.constant 0 : i32
        %dma_start3A_38 = tpu.memref_slice %arg11[%dma_start3A_36, %dma_start3A_37] : memref<512x128xf32, #tpu.memory_space<vmem_shared>> -> memref<160x128xf32, #tpu.memory_space<vmem_shared>>
        %dma_start3A_39 = arith.constant 0 : i32
        %dma_start3A_40 = arith.constant 0 : i32
        %dma_start3A_41 = tpu.memref_slice %arg11[%dma_start3A_39, %dma_start3A_40] : memref<512x128xf32, #tpu.memory_space<vmem_shared>> -> memref<160x128xf32, #tpu.memory_space<vmem_shared>>
        %dma_start3A_42 = arith.constant 0 : i32
        %dma_start3A_43 = arith.constant 0 : i32
        %dma_start3A_44 = tpu.memref_slice %arg6[%dma_start3A_42, %dma_start3A_43] : memref<160x128xf32, #tpu.memory_space<vmem>> -> memref<160x128xf32, #tpu.memory_space<vmem>>
        tpu.enqueue_dma source(%dma_start3A_44 : memref<160x128xf32, #tpu.memory_space<vmem>>) target(%dma_start3A_41 : memref<160x128xf32, #tpu.memory_space<vmem_shared>>) target_semaphore(%run_scoped3A : memref<!tpu.dma_semaphore, #tpu.memory_space<semaphore_mem>>)
        %dma_wait3A = arith.constant 0 : i32
        %dma_wait3A_45 = arith.constant 0 : i32
        %dma_wait3A_46 = tpu.memref_slice %arg6[%dma_wait3A, %dma_wait3A_45] : memref<160x128xf32, #tpu.memory_space<vmem>> -> memref<160x128xf32, #tpu.memory_space<vmem>>
        %dma_wait3A_47 = arith.constant 0 : i32
        %dma_wait3A_48 = arith.constant 0 : i32
        %dma_wait3A_49 = tpu.memref_slice %arg11[%dma_wait3A_47, %dma_wait3A_48] : memref<512x128xf32, #tpu.memory_space<vmem_shared>> -> memref<160x128xf32, #tpu.memory_space<vmem_shared>>
        %dma_wait3A_50 = arith.constant 0 : i32
        %dma_wait3A_51 = arith.constant 0 : i32
        %dma_wait3A_52 = tpu.memref_slice %arg11[%dma_wait3A_50, %dma_wait3A_51] : memref<512x128xf32, #tpu.memory_space<vmem_shared>> -> memref<160x128xf32, #tpu.memory_space<vmem_shared>>
        %dma_wait3A_53 = arith.constant 0 : i32
        %dma_wait3A_54 = arith.constant 0 : i32
        %dma_wait3A_55 = tpu.memref_slice %arg6[%dma_wait3A_53, %dma_wait3A_54] : memref<160x128xf32, #tpu.memory_space<vmem>> -> memref<160x128xf32, #tpu.memory_space<vmem>>
        tpu.wait_dma2 semaphore(%run_scoped3A : memref<!tpu.dma_semaphore, #tpu.memory_space<semaphore_mem>>) src(%dma_wait3A_55 : memref<160x128xf32, #tpu.memory_space<vmem>>) dst(%dma_wait3A_52 : memref<160x128xf32, #tpu.memory_space<vmem_shared>>)
        tpu.yield
      }) : () -> ()
      "tpu.region"() ({
        %run_scoped3A = tpu.sem_alloc : memref<!tpu.dma_semaphore, #tpu.memory_space<semaphore_mem>>
        %dma_start3A_33 = arith.constant 0 : i32
        %dma_start3A_34 = arith.constant 0 : i32
        %dma_start3A_35 = tpu.memref_slice %arg6[%dma_start3A_33, %dma_start3A_34] : memref<160x128xf32, #tpu.memory_space<vmem>> -> memref<160x128xf32, #tpu.memory_space<vmem>>
        %dma_start3A_36 = arith.constant 160 : i32
        %dma_start3A_37 = arith.constant 0 : i32
        %dma_start3A_38 = tpu.memref_slice %arg11[%dma_start3A_36, %dma_start3A_37] : memref<512x128xf32, #tpu.memory_space<vmem_shared>> -> memref<160x128xf32, #tpu.memory_space<vmem_shared>>
        %dma_start3A_39 = arith.constant 160 : i32
        %dma_start3A_40 = arith.constant 0 : i32
        %dma_start3A_41 = tpu.memref_slice %arg11[%dma_start3A_39, %dma_start3A_40] : memref<512x128xf32, #tpu.memory_space<vmem_shared>> -> memref<160x128xf32, #tpu.memory_space<vmem_shared>>
        %dma_start3A_42 = arith.constant 0 : i32
        %dma_start3A_43 = arith.constant 0 : i32
        %dma_start3A_44 = tpu.memref_slice %arg6[%dma_start3A_42, %dma_start3A_43] : memref<160x128xf32, #tpu.memory_space<vmem>> -> memref<160x128xf32, #tpu.memory_space<vmem>>
        tpu.enqueue_dma source(%dma_start3A_44 : memref<160x128xf32, #tpu.memory_space<vmem>>) target(%dma_start3A_41 : memref<160x128xf32, #tpu.memory_space<vmem_shared>>) target_semaphore(%run_scoped3A : memref<!tpu.dma_semaphore, #tpu.memory_space<semaphore_mem>>)
        %dma_wait3A = arith.constant 0 : i32
        %dma_wait3A_45 = arith.constant 0 : i32
        %dma_wait3A_46 = tpu.memref_slice %arg6[%dma_wait3A, %dma_wait3A_45] : memref<160x128xf32, #tpu.memory_space<vmem>> -> memref<160x128xf32, #tpu.memory_space<vmem>>
        %dma_wait3A_47 = arith.constant 160 : i32
        %dma_wait3A_48 = arith.constant 0 : i32
        %dma_wait3A_49 = tpu.memref_slice %arg11[%dma_wait3A_47, %dma_wait3A_48] : memref<512x128xf32, #tpu.memory_space<vmem_shared>> -> memref<160x128xf32, #tpu.memory_space<vmem_shared>>
        %dma_wait3A_50 = arith.constant 160 : i32
        %dma_wait3A_51 = arith.constant 0 : i32
        %dma_wait3A_52 = tpu.memref_slice %arg11[%dma_wait3A_50, %dma_wait3A_51] : memref<512x128xf32, #tpu.memory_space<vmem_shared>> -> memref<160x128xf32, #tpu.memory_space<vmem_shared>>
        %dma_wait3A_53 = arith.constant 0 : i32
        %dma_wait3A_54 = arith.constant 0 : i32
        %dma_wait3A_55 = tpu.memref_slice %arg6[%dma_wait3A_53, %dma_wait3A_54] : memref<160x128xf32, #tpu.memory_space<vmem>> -> memref<160x128xf32, #tpu.memory_space<vmem>>
        tpu.wait_dma2 semaphore(%run_scoped3A : memref<!tpu.dma_semaphore, #tpu.memory_space<semaphore_mem>>) src(%dma_wait3A_55 : memref<160x128xf32, #tpu.memory_space<vmem>>) dst(%dma_wait3A_52 : memref<160x128xf32, #tpu.memory_space<vmem_shared>>)
        tpu.yield
      }) : () -> ()
      "tpu.region"() ({
        %run_scoped3A = tpu.sem_alloc : memref<!tpu.dma_semaphore, #tpu.memory_space<semaphore_mem>>
        %dma_start3A_33 = arith.constant 0 : i32
        %dma_start3A_34 = arith.constant 0 : i32
        %dma_start3A_35 = tpu.memref_slice %arg6[%dma_start3A_33, %dma_start3A_34] : memref<160x128xf32, #tpu.memory_space<vmem>> -> memref<160x128xf32, #tpu.memory_space<vmem>>
        %dma_start3A_36 = arith.constant 320 : i32
        %dma_start3A_37 = arith.constant 0 : i32
        %dma_start3A_38 = tpu.memref_slice %arg11[%dma_start3A_36, %dma_start3A_37] : memref<512x128xf32, #tpu.memory_space<vmem_shared>> -> memref<160x128xf32, #tpu.memory_space<vmem_shared>>
        %dma_start3A_39 = arith.constant 320 : i32
        %dma_start3A_40 = arith.constant 0 : i32
        %dma_start3A_41 = tpu.memref_slice %arg11[%dma_start3A_39, %dma_start3A_40] : memref<512x128xf32, #tpu.memory_space<vmem_shared>> -> memref<160x128xf32, #tpu.memory_space<vmem_shared>>
        %dma_start3A_42 = arith.constant 0 : i32
        %dma_start3A_43 = arith.constant 0 : i32
        %dma_start3A_44 = tpu.memref_slice %arg6[%dma_start3A_42, %dma_start3A_43] : memref<160x128xf32, #tpu.memory_space<vmem>> -> memref<160x128xf32, #tpu.memory_space<vmem>>
        tpu.enqueue_dma source(%dma_start3A_44 : memref<160x128xf32, #tpu.memory_space<vmem>>) target(%dma_start3A_41 : memref<160x128xf32, #tpu.memory_space<vmem_shared>>) target_semaphore(%run_scoped3A : memref<!tpu.dma_semaphore, #tpu.memory_space<semaphore_mem>>)
        %dma_wait3A = arith.constant 0 : i32
        %dma_wait3A_45 = arith.constant 0 : i32
        %dma_wait3A_46 = tpu.memref_slice %arg6[%dma_wait3A, %dma_wait3A_45] : memref<160x128xf32, #tpu.memory_space<vmem>> -> memref<160x128xf32, #tpu.memory_space<vmem>>
        %dma_wait3A_47 = arith.constant 320 : i32
        %dma_wait3A_48 = arith.constant 0 : i32
        %dma_wait3A_49 = tpu.memref_slice %arg11[%dma_wait3A_47, %dma_wait3A_48] : memref<512x128xf32, #tpu.memory_space<vmem_shared>> -> memref<160x128xf32, #tpu.memory_space<vmem_shared>>
        %dma_wait3A_50 = arith.constant 320 : i32
        %dma_wait3A_51 = arith.constant 0 : i32
        %dma_wait3A_52 = tpu.memref_slice %arg11[%dma_wait3A_50, %dma_wait3A_51] : memref<512x128xf32, #tpu.memory_space<vmem_shared>> -> memref<160x128xf32, #tpu.memory_space<vmem_shared>>
        %dma_wait3A_53 = arith.constant 0 : i32
        %dma_wait3A_54 = arith.constant 0 : i32
        %dma_wait3A_55 = tpu.memref_slice %arg6[%dma_wait3A_53, %dma_wait3A_54] : memref<160x128xf32, #tpu.memory_space<vmem>> -> memref<160x128xf32, #tpu.memory_space<vmem>>
        tpu.wait_dma2 semaphore(%run_scoped3A : memref<!tpu.dma_semaphore, #tpu.memory_space<semaphore_mem>>) src(%dma_wait3A_55 : memref<160x128xf32, #tpu.memory_space<vmem>>) dst(%dma_wait3A_52 : memref<160x128xf32, #tpu.memory_space<vmem_shared>>)
        tpu.yield
      }) : () -> ()
      "tpu.region"() ({
        %run_scoped3A = tpu.sem_alloc : memref<!tpu.dma_semaphore, #tpu.memory_space<semaphore_mem>>
        %dma_start3A_33 = arith.constant 0 : i32
        %dma_start3A_34 = arith.constant 0 : i32
        %dma_start3A_35 = tpu.memref_slice %arg6[%dma_start3A_33, %dma_start3A_34] : memref<160x128xf32, #tpu.memory_space<vmem>> -> memref<32x128xf32, #tpu.memory_space<vmem>>
        %dma_start3A_36 = arith.constant 480 : i32
        %dma_start3A_37 = arith.constant 0 : i32
        %dma_start3A_38 = tpu.memref_slice %arg11[%dma_start3A_36, %dma_start3A_37] : memref<512x128xf32, #tpu.memory_space<vmem_shared>> -> memref<32x128xf32, #tpu.memory_space<vmem_shared>>
        %dma_start3A_39 = arith.constant 480 : i32
        %dma_start3A_40 = arith.constant 0 : i32
        %dma_start3A_41 = tpu.memref_slice %arg11[%dma_start3A_39, %dma_start3A_40] : memref<512x128xf32, #tpu.memory_space<vmem_shared>> -> memref<32x128xf32, #tpu.memory_space<vmem_shared>>
        %dma_start3A_42 = arith.constant 0 : i32
        %dma_start3A_43 = arith.constant 0 : i32
        %dma_start3A_44 = tpu.memref_slice %arg6[%dma_start3A_42, %dma_start3A_43] : memref<160x128xf32, #tpu.memory_space<vmem>> -> memref<32x128xf32, #tpu.memory_space<vmem>>
        tpu.enqueue_dma source(%dma_start3A_44 : memref<32x128xf32, #tpu.memory_space<vmem>>) target(%dma_start3A_41 : memref<32x128xf32, #tpu.memory_space<vmem_shared>>) target_semaphore(%run_scoped3A : memref<!tpu.dma_semaphore, #tpu.memory_space<semaphore_mem>>)
        %dma_wait3A = arith.constant 0 : i32
        %dma_wait3A_45 = arith.constant 0 : i32
        %dma_wait3A_46 = tpu.memref_slice %arg6[%dma_wait3A, %dma_wait3A_45] : memref<160x128xf32, #tpu.memory_space<vmem>> -> memref<32x128xf32, #tpu.memory_space<vmem>>
        %dma_wait3A_47 = arith.constant 480 : i32
        %dma_wait3A_48 = arith.constant 0 : i32
        %dma_wait3A_49 = tpu.memref_slice %arg11[%dma_wait3A_47, %dma_wait3A_48] : memref<512x128xf32, #tpu.memory_space<vmem_shared>> -> memref<32x128xf32, #tpu.memory_space<vmem_shared>>
        %dma_wait3A_50 = arith.constant 480 : i32
        %dma_wait3A_51 = arith.constant 0 : i32
        %dma_wait3A_52 = tpu.memref_slice %arg11[%dma_wait3A_50, %dma_wait3A_51] : memref<512x128xf32, #tpu.memory_space<vmem_shared>> -> memref<32x128xf32, #tpu.memory_space<vmem_shared>>
        %dma_wait3A_53 = arith.constant 0 : i32
        %dma_wait3A_54 = arith.constant 0 : i32
        %dma_wait3A_55 = tpu.memref_slice %arg6[%dma_wait3A_53, %dma_wait3A_54] : memref<160x128xf32, #tpu.memory_space<vmem>> -> memref<32x128xf32, #tpu.memory_space<vmem>>
        tpu.wait_dma2 semaphore(%run_scoped3A : memref<!tpu.dma_semaphore, #tpu.memory_space<semaphore_mem>>) src(%dma_wait3A_55 : memref<32x128xf32, #tpu.memory_space<vmem>>) dst(%dma_wait3A_52 : memref<32x128xf32, #tpu.memory_space<vmem_shared>>)
        tpu.yield
      }) : () -> ()
    } else {
    }
    %barrier3A = arith.constant 0 : index
    tpu.barrier barrier_id(%barrier3A)
    %add3A_15 = arith.constant 0 : i32
    %add3A_16 = arith.addi %mul3A_2, %add3A_15 : i32
    %dma_start3A = arith.constant 0 : i32
    %dma_start3A_17 = tpu.memref_slice %arg2[%add3A_16, %dma_start3A] : memref<204800x128xf32, #tpu.memory_space<hbm>> -> memref<160x128xf32, #tpu.memory_space<hbm>>
    %dma_start3A_18 = arith.constant 0 : i32
    %dma_start3A_19 = tpu.memref_slice %arg2[%add3A_16, %dma_start3A_18] : memref<204800x128xf32, #tpu.memory_space<hbm>> -> memref<160x128xf32, #tpu.memory_space<hbm>>
    tpu.enqueue_dma source(%dma_start3A_19 : memref<160x128xf32, #tpu.memory_space<hbm>>) target(%arg6 : memref<160x128xf32, #tpu.memory_space<vmem>>) target_semaphore(%arg12 : memref<!tpu.dma_semaphore, #tpu.memory_space<semaphore_mem>>)
    %dma_start3A_20 = tpu.memref_slice %arg3[%add3A_16] : memref<320000xi32, #tpu.memory_space<hbm>> -> memref<160xi32, #tpu.memory_space<hbm>>
    %dma_start3A_21 = tpu.memref_slice %arg3[%add3A_16] : memref<320000xi32, #tpu.memory_space<hbm>> -> memref<160xi32, #tpu.memory_space<hbm>>
    tpu.enqueue_dma source(%dma_start3A_21 : memref<160xi32, #tpu.memory_space<hbm>>) target(%arg8 : memref<160xi32, #tpu.memory_space<vmem>>) target_semaphore(%arg14 : memref<!tpu.dma_semaphore, #tpu.memory_space<semaphore_mem>>)
    %scan3A_22 = arith.constant 0 : i32
    %scan3A_23 = arith.constant 20 : i32
    %scan3A_24 = arith.addi %scan3A_22, %scan3A_23 : i32
    %scan3A_25 = arith.constant 1 : i32
    scf.for %scan3A_33 = %scan3A_22 to %scan3A_24 step %scan3A_25  : i32 {
      %mul3A_34 = arith.constant 2 : i32
      %mul3A_35 = arith.muli %scan3A_33, %mul3A_34 : i32
      %add3A_36 = arith.constant 0 : i32
      %add3A_37 = arith.addi %add3A_36, %mul3A_35 : i32
      %mul3A_38 = arith.constant 160 : i32
      %mul3A_39 = arith.muli %add3A_37, %mul3A_38 : i32
      %add3A_40 = arith.addi %mul3A_2, %mul3A_39 : i32
      %dma_wait3A = arith.constant 0 : i32
      %dma_wait3A_41 = tpu.memref_slice %arg2[%add3A_40, %dma_wait3A] : memref<204800x128xf32, #tpu.memory_space<hbm>> -> memref<160x128xf32, #tpu.memory_space<hbm>>
      %dma_wait3A_42 = arith.constant 0 : i32
      %dma_wait3A_43 = tpu.memref_slice %arg2[%add3A_40, %dma_wait3A_42] : memref<204800x128xf32, #tpu.memory_space<hbm>> -> memref<160x128xf32, #tpu.memory_space<hbm>>
      tpu.wait_dma2 semaphore(%arg12 : memref<!tpu.dma_semaphore, #tpu.memory_space<semaphore_mem>>) src(%dma_wait3A_43 : memref<160x128xf32, #tpu.memory_space<hbm>>) dst(%arg6 : memref<160x128xf32, #tpu.memory_space<vmem>>)
      %dma_wait3A_44 = tpu.memref_slice %arg3[%add3A_40] : memref<320000xi32, #tpu.memory_space<hbm>> -> memref<160xi32, #tpu.memory_space<hbm>>
      %dma_wait3A_45 = tpu.memref_slice %arg3[%add3A_40] : memref<320000xi32, #tpu.memory_space<hbm>> -> memref<160xi32, #tpu.memory_space<hbm>>
      tpu.wait_dma2 semaphore(%arg14 : memref<!tpu.dma_semaphore, #tpu.memory_space<semaphore_mem>>) src(%dma_wait3A_45 : memref<160xi32, #tpu.memory_space<hbm>>) dst(%arg8 : memref<160xi32, #tpu.memory_space<vmem>>)
      %add3A_46 = arith.constant 1 : i32
      %add3A_47 = arith.addi %add3A_37, %add3A_46 : i32
      %mul3A_48 = arith.constant 160 : i32
      %mul3A_49 = arith.muli %add3A_47, %mul3A_48 : i32
      %add3A_50 = arith.addi %mul3A_2, %mul3A_49 : i32
      %dma_start3A_51 = arith.constant 0 : i32
      %dma_start3A_52 = tpu.memref_slice %arg2[%add3A_50, %dma_start3A_51] : memref<204800x128xf32, #tpu.memory_space<hbm>> -> memref<160x128xf32, #tpu.memory_space<hbm>>
      %dma_start3A_53 = arith.constant 0 : i32
      %dma_start3A_54 = tpu.memref_slice %arg2[%add3A_50, %dma_start3A_53] : memref<204800x128xf32, #tpu.memory_space<hbm>> -> memref<160x128xf32, #tpu.memory_space<hbm>>
      tpu.enqueue_dma source(%dma_start3A_54 : memref<160x128xf32, #tpu.memory_space<hbm>>) target(%arg7 : memref<160x128xf32, #tpu.memory_space<vmem>>) target_semaphore(%arg13 : memref<!tpu.dma_semaphore, #tpu.memory_space<semaphore_mem>>)
      %dma_start3A_55 = tpu.memref_slice %arg3[%add3A_50] : memref<320000xi32, #tpu.memory_space<hbm>> -> memref<160xi32, #tpu.memory_space<hbm>>
      %dma_start3A_56 = tpu.memref_slice %arg3[%add3A_50] : memref<320000xi32, #tpu.memory_space<hbm>> -> memref<160xi32, #tpu.memory_space<hbm>>
      tpu.enqueue_dma source(%dma_start3A_56 : memref<160xi32, #tpu.memory_space<hbm>>) target(%arg9 : memref<160xi32, #tpu.memory_space<vmem>>) target_semaphore(%arg15 : memref<!tpu.dma_semaphore, #tpu.memory_space<semaphore_mem>>)
      "tpu.region"() ({
        %run_scoped3A = tpu.sem_alloc : memref<!tpu.dma_semaphore, #tpu.memory_space<semaphore_mem>>
        %dma_start3A_84 = arith.constant 0 : i32
        %dma_start3A_85 = arith.constant 0 : i32
        %dma_start3A_86 = tpu.memref_slice %arg11[%dma_start3A_84, %dma_start3A_85] : memref<512x128xf32, #tpu.memory_space<vmem_shared>> -> memref<512x128xf32, #tpu.memory_space<vmem_shared>>
        tpu.enqueue_indirect_dma source(%arg6 : memref<160x128xf32, #tpu.memory_space<vmem>>) target(%dma_start3A_86 : memref<512x128xf32, #tpu.memory_space<vmem_shared>>) offsets(%arg8 : memref<160xi32, #tpu.memory_space<vmem>>) semaphore(%run_scoped3A : memref<!tpu.dma_semaphore, #tpu.memory_space<semaphore_mem>>) {add = true}
        %dma_wait3A_87 = arith.constant 0 : i32
        %dma_wait3A_88 = arith.constant 0 : i32
        %dma_wait3A_89 = tpu.memref_slice %arg11[%dma_wait3A_87, %dma_wait3A_88] : memref<512x128xf32, #tpu.memory_space<vmem_shared>> -> memref<512x128xf32, #tpu.memory_space<vmem_shared>>
        tpu.wait_indirect_dma semaphore(%run_scoped3A : memref<!tpu.dma_semaphore, #tpu.memory_space<semaphore_mem>>) src(%arg6 : memref<160x128xf32, #tpu.memory_space<vmem>>) dst(%dma_wait3A_89 : memref<512x128xf32, #tpu.memory_space<vmem_shared>>)
        tpu.yield
      }) : () -> ()
      %scan3A_57 = arith.constant 0 : i32
      %scan3A_58 = arith.constant 10 : i32
      %scan3A_59 = arith.addi %scan3A_57, %scan3A_58 : i32
      %scan3A_60 = arith.constant 1 : i32
      scf.for %scan3A_84 = %scan3A_57 to %scan3A_59 step %scan3A_60  : i32 {
        %mul3A_85 = arith.constant 1 : i32
        %mul3A_86 = arith.muli %scan3A_84, %mul3A_85 : i32
        %add3A_87 = arith.constant 0 : i32
        %add3A_88 = arith.addi %add3A_87, %mul3A_86 : i32
        %mul3A_89 = arith.constant 16 : i32
        %mul3A_90 = arith.muli %add3A_88, %mul3A_89 : i32
        %get3A = arith.index_cast %mul3A_90 : i32 to index
        %get3A_91 = tpu.vector_load %arg8[%get3A] {strides = array<i32>} : memref<160xi32, #tpu.memory_space<vmem>>, vector<16xi32>,
        tpu.vector_store_idx %arg10[%get3A_91, %iota3A], %broadcast_in_dim3A_3 {add = true} : memref<512x16xf32, #tpu.memory_space<vmem>>[vector<16xi32>, vector<16xi32>], vector<16xf32>,
      }
      %scan3A_61 = arith.constant 10 : i32
      %add3A_62 = arith.constant 1 : i32
      %add3A_63 = arith.addi %add3A_37, %add3A_62 : i32
      %mul3A_64 = arith.constant 160 : i32
      %mul3A_65 = arith.muli %add3A_63, %mul3A_64 : i32
      %add3A_66 = arith.addi %mul3A_2, %mul3A_65 : i32
      %dma_wait3A_67 = arith.constant 0 : i32
      %dma_wait3A_68 = tpu.memref_slice %arg2[%add3A_66, %dma_wait3A_67] : memref<204800x128xf32, #tpu.memory_space<hbm>> -> memref<160x128xf32, #tpu.memory_space<hbm>>
      %dma_wait3A_69 = arith.constant 0 : i32
      %dma_wait3A_70 = tpu.memref_slice %arg2[%add3A_66, %dma_wait3A_69] : memref<204800x128xf32, #tpu.memory_space<hbm>> -> memref<160x128xf32, #tpu.memory_space<hbm>>
      tpu.wait_dma2 semaphore(%arg13 : memref<!tpu.dma_semaphore, #tpu.memory_space<semaphore_mem>>) src(%dma_wait3A_70 : memref<160x128xf32, #tpu.memory_space<hbm>>) dst(%arg7 : memref<160x128xf32, #tpu.memory_space<vmem>>)
      %dma_wait3A_71 = tpu.memref_slice %arg3[%add3A_66] : memref<320000xi32, #tpu.memory_space<hbm>> -> memref<160xi32, #tpu.memory_space<hbm>>
      %dma_wait3A_72 = tpu.memref_slice %arg3[%add3A_66] : memref<320000xi32, #tpu.memory_space<hbm>> -> memref<160xi32, #tpu.memory_space<hbm>>
      tpu.wait_dma2 semaphore(%arg15 : memref<!tpu.dma_semaphore, #tpu.memory_space<semaphore_mem>>) src(%dma_wait3A_72 : memref<160xi32, #tpu.memory_space<hbm>>) dst(%arg9 : memref<160xi32, #tpu.memory_space<vmem>>)
      %add3A_73 = arith.constant 2 : i32
      %add3A_74 = arith.addi %add3A_37, %add3A_73 : i32
      %lt3A = arith.constant 40 : i32
      %lt3A_75 = arith.cmpi slt, %add3A_74, %lt3A : i32
      %convert_element_type3A_76 = arith.extui %lt3A_75 : i1 to i32
      %cond3A_77 = arith.constant 0 : i32
      %cond3A_78 = arith.cmpi ne, %convert_element_type3A_76, %cond3A_77 : i32
      scf.if %cond3A_78 {
        %add3A_84 = arith.constant 2 : i32
        %add3A_85 = arith.addi %add3A_37, %add3A_84 : i32
        %mul3A_86 = arith.constant 160 : i32
        %mul3A_87 = arith.muli %add3A_85, %mul3A_86 : i32
        %add3A_88 = arith.addi %mul3A_2, %mul3A_87 : i32
        %dma_start3A_89 = arith.constant 0 : i32
        %dma_start3A_90 = tpu.memref_slice %arg2[%add3A_88, %dma_start3A_89] : memref<204800x128xf32, #tpu.memory_space<hbm>> -> memref<160x128xf32, #tpu.memory_space<hbm>>
        %dma_start3A_91 = arith.constant 0 : i32
        %dma_start3A_92 = tpu.memref_slice %arg2[%add3A_88, %dma_start3A_91] : memref<204800x128xf32, #tpu.memory_space<hbm>> -> memref<160x128xf32, #tpu.memory_space<hbm>>
        tpu.enqueue_dma source(%dma_start3A_92 : memref<160x128xf32, #tpu.memory_space<hbm>>) target(%arg6 : memref<160x128xf32, #tpu.memory_space<vmem>>) target_semaphore(%arg12 : memref<!tpu.dma_semaphore, #tpu.memory_space<semaphore_mem>>)
        %dma_start3A_93 = tpu.memref_slice %arg3[%add3A_88] : memref<320000xi32, #tpu.memory_space<hbm>> -> memref<160xi32, #tpu.memory_space<hbm>>
        %dma_start3A_94 = tpu.memref_slice %arg3[%add3A_88] : memref<320000xi32, #tpu.memory_space<hbm>> -> memref<160xi32, #tpu.memory_space<hbm>>
        tpu.enqueue_dma source(%dma_start3A_94 : memref<160xi32, #tpu.memory_space<hbm>>) target(%arg8 : memref<160xi32, #tpu.memory_space<vmem>>) target_semaphore(%arg14 : memref<!tpu.dma_semaphore, #tpu.memory_space<semaphore_mem>>)
      } else {
      }
      "tpu.region"() ({
        %run_scoped3A = tpu.sem_alloc : memref<!tpu.dma_semaphore, #tpu.memory_space<semaphore_mem>>
        %dma_start3A_84 = arith.constant 0 : i32
        %dma_start3A_85 = arith.constant 0 : i32
        %dma_start3A_86 = tpu.memref_slice %arg11[%dma_start3A_84, %dma_start3A_85] : memref<512x128xf32, #tpu.memory_space<vmem_shared>> -> memref<512x128xf32, #tpu.memory_space<vmem_shared>>
        tpu.enqueue_indirect_dma source(%arg7 : memref<160x128xf32, #tpu.memory_space<vmem>>) target(%dma_start3A_86 : memref<512x128xf32, #tpu.memory_space<vmem_shared>>) offsets(%arg9 : memref<160xi32, #tpu.memory_space<vmem>>) semaphore(%run_scoped3A : memref<!tpu.dma_semaphore, #tpu.memory_space<semaphore_mem>>) {add = true}
        %dma_wait3A_87 = arith.constant 0 : i32
        %dma_wait3A_88 = arith.constant 0 : i32
        %dma_wait3A_89 = tpu.memref_slice %arg11[%dma_wait3A_87, %dma_wait3A_88] : memref<512x128xf32, #tpu.memory_space<vmem_shared>> -> memref<512x128xf32, #tpu.memory_space<vmem_shared>>
        tpu.wait_indirect_dma semaphore(%run_scoped3A : memref<!tpu.dma_semaphore, #tpu.memory_space<semaphore_mem>>) src(%arg7 : memref<160x128xf32, #tpu.memory_space<vmem>>) dst(%dma_wait3A_89 : memref<512x128xf32, #tpu.memory_space<vmem_shared>>)
        tpu.yield
      }) : () -> ()
      %scan3A_79 = arith.constant 0 : i32
      %scan3A_80 = arith.constant 10 : i32
      %scan3A_81 = arith.addi %scan3A_79, %scan3A_80 : i32
      %scan3A_82 = arith.constant 1 : i32
      scf.for %scan3A_84 = %scan3A_79 to %scan3A_81 step %scan3A_82  : i32 {
        %mul3A_85 = arith.constant 1 : i32
        %mul3A_86 = arith.muli %scan3A_84, %mul3A_85 : i32
        %add3A_87 = arith.constant 0 : i32
        %add3A_88 = arith.addi %add3A_87, %mul3A_86 : i32
        %mul3A_89 = arith.constant 16 : i32
        %mul3A_90 = arith.muli %add3A_88, %mul3A_89 : i32
        %get3A = arith.index_cast %mul3A_90 : i32 to index
        %get3A_91 = tpu.vector_load %arg9[%get3A] {strides = array<i32>} : memref<160xi32, #tpu.memory_space<vmem>>, vector<16xi32>,
        tpu.vector_store_idx %arg10[%get3A_91, %iota3A], %broadcast_in_dim3A_3 {add = true} : memref<512x16xf32, #tpu.memory_space<vmem>>[vector<16xi32>, vector<16xi32>], vector<16xf32>,
      }
      %scan3A_83 = arith.constant 10 : i32
    }
    %scan3A_26 = arith.constant 20 : i32
    %barrier3A_27 = arith.constant 0 : index
    tpu.barrier barrier_id(%barrier3A_27)
    "tpu.region"() ({
      %run_scoped3A = tpu.sem_alloc : memref<!tpu.dma_semaphore, #tpu.memory_space<semaphore_mem>>
      %dma_start3A_33 = arith.constant 0 : i32
      %dma_start3A_34 = arith.constant 0 : i32
      %dma_start3A_35 = tpu.memref_slice %arg5[%add3A, %dma_start3A_33, %dma_start3A_34] : memref<32x512x16xf32, #tpu.memory_space<hbm>> -> memref<1x512x16xf32, #tpu.memory_space<hbm>>
      %dma_start3A_36 = tpu.memref_squeeze %dma_start3A_35 : memref<1x512x16xf32, #tpu.memory_space<hbm>> -> memref<512x16xf32, #tpu.memory_space<hbm>>
      %dma_start3A_37 = arith.constant 0 : i32
      %dma_start3A_38 = arith.constant 0 : i32
      %dma_start3A_39 = tpu.memref_slice %arg5[%add3A, %dma_start3A_37, %dma_start3A_38] : memref<32x512x16xf32, #tpu.memory_space<hbm>> -> memref<1x512x16xf32, #tpu.memory_space<hbm>>
      %dma_start3A_40 = tpu.memref_squeeze %dma_start3A_39 : memref<1x512x16xf32, #tpu.memory_space<hbm>> -> memref<512x16xf32, #tpu.memory_space<hbm>>
      tpu.enqueue_dma source(%arg10 : memref<512x16xf32, #tpu.memory_space<vmem>>) target(%dma_start3A_40 : memref<512x16xf32, #tpu.memory_space<hbm>>) target_semaphore(%run_scoped3A : memref<!tpu.dma_semaphore, #tpu.memory_space<semaphore_mem>>)
      %dma_wait3A = arith.constant 0 : i32
      %dma_wait3A_41 = arith.constant 0 : i32
      %dma_wait3A_42 = tpu.memref_slice %arg5[%add3A, %dma_wait3A, %dma_wait3A_41] : memref<32x512x16xf32, #tpu.memory_space<hbm>> -> memref<1x512x16xf32, #tpu.memory_space<hbm>>
      %dma_wait3A_43 = tpu.memref_squeeze %dma_wait3A_42 : memref<1x512x16xf32, #tpu.memory_space<hbm>> -> memref<512x16xf32, #tpu.memory_space<hbm>>
      %dma_wait3A_44 = arith.constant 0 : i32
      %dma_wait3A_45 = arith.constant 0 : i32
      %dma_wait3A_46 = tpu.memref_slice %arg5[%add3A, %dma_wait3A_44, %dma_wait3A_45] : memref<32x512x16xf32, #tpu.memory_space<hbm>> -> memref<1x512x16xf32, #tpu.memory_space<hbm>>
      %dma_wait3A_47 = tpu.memref_squeeze %dma_wait3A_46 : memref<1x512x16xf32, #tpu.memory_space<hbm>> -> memref<512x16xf32, #tpu.memory_space<hbm>>
      tpu.wait_dma2 semaphore(%run_scoped3A : memref<!tpu.dma_semaphore, #tpu.memory_space<semaphore_mem>>) src(%arg10 : memref<512x16xf32, #tpu.memory_space<vmem>>) dst(%dma_wait3A_47 : memref<512x16xf32, #tpu.memory_space<hbm>>)
      tpu.yield
    }) : () -> ()
    %eq3A_28 = arith.constant 0 : i32
    %eq3A_29 = arith.cmpi eq, %arg1, %eq3A_28 : i32
    %convert_element_type3A_30 = arith.extui %eq3A_29 : i1 to i32
    %cond3A_31 = arith.constant 0 : i32
    %cond3A_32 = arith.cmpi ne, %convert_element_type3A_30, %cond3A_31 : i32
    scf.if %cond3A_32 {
      "tpu.region"() ({
        %run_scoped3A = tpu.sem_alloc : memref<!tpu.dma_semaphore, #tpu.memory_space<semaphore_mem>>
        %dma_start3A_33 = arith.constant 0 : i32
        %dma_start3A_34 = arith.constant 0 : i32
        %dma_start3A_35 = tpu.memref_slice %arg4[%arg0, %dma_start3A_33, %dma_start3A_34] : memref<2x512x128xf32, #tpu.memory_space<hbm>> -> memref<1x512x128xf32, #tpu.memory_space<hbm>>
        %dma_start3A_36 = tpu.memref_squeeze %dma_start3A_35 : memref<1x512x128xf32, #tpu.memory_space<hbm>> -> memref<512x128xf32, #tpu.memory_space<hbm>>
        tpu.enqueue_dma source(%arg11 : memref<512x128xf32, #tpu.memory_space<vmem_shared>>) target(%dma_start3A_36 : memref<512x128xf32, #tpu.memory_space<hbm>>) target_semaphore(%run_scoped3A : memref<!tpu.dma_semaphore, #tpu.memory_space<semaphore_mem>>)
        %dma_wait3A = arith.constant 0 : i32
        %dma_wait3A_37 = arith.constant 0 : i32
        %dma_wait3A_38 = tpu.memref_slice %arg4[%arg0, %dma_wait3A, %dma_wait3A_37] : memref<2x512x128xf32, #tpu.memory_space<hbm>> -> memref<1x512x128xf32, #tpu.memory_space<hbm>>
        %dma_wait3A_39 = tpu.memref_squeeze %dma_wait3A_38 : memref<1x512x128xf32, #tpu.memory_space<hbm>> -> memref<512x128xf32, #tpu.memory_space<hbm>>
        tpu.wait_dma2 semaphore(%run_scoped3A : memref<!tpu.dma_semaphore, #tpu.memory_space<semaphore_mem>>) src(%arg11 : memref<512x128xf32, #tpu.memory_space<vmem_shared>>) dst(%dma_wait3A_39 : memref<512x128xf32, #tpu.memory_space<hbm>>)
        tpu.yield
      }) : () -> ()
    } else {
    }
    return
  }
}

module attributes {stable_mosaic.version = 14 : i64} {
  func.func @_fin_body(%arg0: memref<2x512x128xf32, #tpu.memory_space<vmem>>, %arg1: memref<32x512x16xf32, #tpu.memory_space<vmem>>, %arg2: memref<512x128xf32, #tpu.memory_space<vmem>>, %arg3: memref<512x1xf32, #tpu.memory_space<vmem>>, %arg4: memref<128x128xf32, #tpu.memory_space<vmem>>, %arg5: memref<1x128xf32, #tpu.memory_space<vmem>>, %arg6: memref<512x128xf32, #tpu.memory_space<vmem>>) attributes {dimension_semantics = [], scalar_prefetch = 0 : i64, scratch_operands = 0 : i64, tpu.core_type = #tpu.core_type<tc>} {
    %get3A = arith.constant 0 : index
    %get3A_0 = arith.constant 0 : index
    %get3A_1 = arith.constant 0 : index
    %get3A_2 = vector.load %arg0[%get3A, %get3A_0, %get3A_1] : memref<2x512x128xf32, #tpu.memory_space<vmem>>, vector<2x512x128xf32>
    %reduce_sum3A = arith.constant dense<0.000000e+00> : vector<512x128xf32>
    %reduce_sum3A_3 = vector.multi_reduction <add>, %get3A_2, %reduce_sum3A [0] : vector<2x512x128xf32> to vector<512x128xf32>
    %get3A_4 = arith.constant 0 : index
    %get3A_5 = arith.constant 0 : index
    %get3A_6 = vector.load %arg2[%get3A_4, %get3A_5] : memref<512x128xf32, #tpu.memory_space<vmem>>, vector<512x128xf32>
    %add3A = arith.addf %reduce_sum3A_3, %get3A_6 : vector<512x128xf32>
    %get3A_7 = arith.constant 0 : index
    %get3A_8 = arith.constant 0 : index
    %get3A_9 = arith.constant 0 : index
    %get3A_10 = vector.load %arg1[%get3A_7, %get3A_8, %get3A_9] : memref<32x512x16xf32, #tpu.memory_space<vmem>>, vector<32x512x16xf32>
    %reduce_sum3A_11 = arith.constant dense<0.000000e+00> : vector<512xf32>
    %reduce_sum3A_12 = vector.multi_reduction <add>, %get3A_10, %reduce_sum3A_11 [0, 2] : vector<32x512x16xf32> to vector<512xf32>
    %broadcast_in_dim3A = vector.shape_cast %reduce_sum3A_12 : vector<512xf32> to vector<512x1xf32>
    %get3A_13 = arith.constant 0 : index
    %get3A_14 = arith.constant 0 : index
    %get3A_15 = vector.load %arg3[%get3A_13, %get3A_14] : memref<512x1xf32, #tpu.memory_space<vmem>>, vector<512x1xf32>
    %add3A_16 = arith.addf %broadcast_in_dim3A, %get3A_15 : vector<512x1xf32>
    %max3A = arith.constant 1.000000e+00 : f32
    %max3A_17 = vector.broadcast %max3A : f32 to vector<512x1xf32>
    %max3A_18 = arith.maximumf %add3A_16, %max3A_17 : vector<512x1xf32>
    %div3A = vector.broadcast %max3A_18 : vector<512x1xf32> to vector<512x128xf32>
    %div3A_19 = arith.divf %add3A, %div3A : vector<512x128xf32>
    %get3A_20 = arith.constant 0 : index
    %get3A_21 = arith.constant 0 : index
    %get3A_22 = vector.load %arg4[%get3A_20, %get3A_21] : memref<128x128xf32, #tpu.memory_space<vmem>>, vector<128x128xf32>
    %dot_general3A = arith.constant dense<0.000000e+00> : vector<512x128xf32>
    %dot_general3A_23 = tpu.matmul %div3A_19, %get3A_22, %dot_general3A {dimension_numbers = #tpu.dot_dimension_numbers<[1], [0], [0], [1], [0, 0, 1, 1], [], []>, transpose_lhs_hint = false} : vector<512x128xf32>, vector<128x128xf32>, vector<512x128xf32> -> vector<512x128xf32>
    %get3A_24 = arith.constant 0 : index
    %get3A_25 = arith.constant 0 : index
    %get3A_26 = vector.load %arg5[%get3A_24, %get3A_25] : memref<1x128xf32, #tpu.memory_space<vmem>>, vector<1x128xf32>
    %add3A_27 = vector.broadcast %get3A_26 : vector<1x128xf32> to vector<512x128xf32>
    %add3A_28 = arith.addf %dot_general3A_23, %add3A_27 : vector<512x128xf32>
    %swap3A = arith.constant 0 : index
    %swap3A_29 = arith.constant 0 : index
    %swap3A_30 = vector.load %arg6[%swap3A, %swap3A_29] : memref<512x128xf32, #tpu.memory_space<vmem>>, vector<512x128xf32>
    tpu.vector_store %arg6[%swap3A, %swap3A_29], %add3A_28 {strides = array<i32>} : memref<512x128xf32, #tpu.memory_space<vmem>>, vector<512x128xf32>,
    return
  }
}

module attributes {stable_mosaic.version = 14 : i64} {
  func.func @_z_body(%arg0: i32, %arg1: memref<3200x128xf32, #tpu.memory_space<vmem>>, %arg2: memref<128x128xf32, #tpu.memory_space<vmem>>, %arg3: memref<1x128xf32, #tpu.memory_space<vmem>>, %arg4: memref<3200x128xf32, #tpu.memory_space<vmem>>) attributes {dimension_semantics = [#tpu.dimension_semantics<arbitrary>], iteration_bounds = array<i64: 64>, scalar_prefetch = 0 : i64, scratch_operands = 0 : i64, tpu.core_type = #tpu.core_type<tc>, window_params = [{transform_indices = @transform_0, window_bounds = array<i64: 3200, 128>}, {pipeline_mode = #tpu.pipeline_mode<synchronous>, transform_indices = @transform_1, window_bounds = array<i64: 128, 128>}, {pipeline_mode = #tpu.pipeline_mode<synchronous>, transform_indices = @transform_2, window_bounds = array<i64: 1, 128>}, {transform_indices = @transform_3, window_bounds = array<i64: 3200, 128>}]} {
    %get3A = arith.constant 0 : index
    %get3A_0 = arith.constant 0 : index
    %get3A_1 = vector.load %arg1[%get3A, %get3A_0] : memref<3200x128xf32, #tpu.memory_space<vmem>>, vector<3200x128xf32>
    %get3A_2 = arith.constant 0 : index
    %get3A_3 = arith.constant 0 : index
    %get3A_4 = vector.load %arg2[%get3A_2, %get3A_3] : memref<128x128xf32, #tpu.memory_space<vmem>>, vector<128x128xf32>
    %dot_general3A = arith.constant dense<0.000000e+00> : vector<3200x128xf32>
    %dot_general3A_5 = tpu.matmul %get3A_1, %get3A_4, %dot_general3A {dimension_numbers = #tpu.dot_dimension_numbers<[1], [0], [0], [1], [0, 0, 1, 1], [], []>, transpose_lhs_hint = false} : vector<3200x128xf32>, vector<128x128xf32>, vector<3200x128xf32> -> vector<3200x128xf32>
    %get3A_6 = arith.constant 0 : index
    %get3A_7 = arith.constant 0 : index
    %get3A_8 = vector.load %arg3[%get3A_6, %get3A_7] : memref<1x128xf32, #tpu.memory_space<vmem>>, vector<1x128xf32>
    %add3A = vector.broadcast %get3A_8 : vector<1x128xf32> to vector<3200x128xf32>
    %add3A_9 = arith.addf %dot_general3A_5, %add3A : vector<3200x128xf32>
    %max3A = arith.constant 0.000000e+00 : f32
    %max3A_10 = vector.broadcast %max3A : f32 to vector<3200x128xf32>
    %max3A_11 = arith.maximumf %add3A_9, %max3A_10 : vector<3200x128xf32>
    %swap3A = arith.constant 0 : index
    %swap3A_12 = arith.constant 0 : index
    %swap3A_13 = vector.load %arg4[%swap3A, %swap3A_12] : memref<3200x128xf32, #tpu.memory_space<vmem>>, vector<3200x128xf32>
    tpu.vector_store %arg4[%swap3A, %swap3A_12], %max3A_11 {strides = array<i32>} : memref<3200x128xf32, #tpu.memory_space<vmem>>, vector<3200x128xf32>,
    return
  }
  func.func @transform_0(%arg0: i32) -> (i32, i32) {
    %c0_i32 = arith.constant 0 : i32
    %c0_i32_0 = arith.constant 0 : i32
    return %arg0, %c0_i32 : i32, i32
  }
  func.func @transform_1(%arg0: i32) -> (i32, i32) {
    %c0_i32 = arith.constant 0 : i32
    %c0_i32_0 = arith.constant 0 : i32
    %c0_i32_1 = arith.constant 0 : i32
    return %c0_i32, %c0_i32_0 : i32, i32
  }
  func.func @transform_2(%arg0: i32) -> (i32, i32) {
    %c0_i32 = arith.constant 0 : i32
    %c0_i32_0 = arith.constant 0 : i32
    %c0_i32_1 = arith.constant 0 : i32
    return %c0_i32, %c0_i32_0 : i32, i32
  }
  func.func @transform_3(%arg0: i32) -> (i32, i32) {
    %c0_i32 = arith.constant 0 : i32
    %c0_i32_0 = arith.constant 0 : i32
    return %arg0, %c0_i32 : i32, i32
  }
}

module attributes {stable_mosaic.version = 14 : i64} {
  func.func @_oh_body(%arg0: i32, %arg1: memref<1280x128xf32, #tpu.memory_space<vmem>>, %arg2: memref<1x1x1280xi32, #tpu.memory_space<vmem>>, %arg3: memref<128x128xf32, #tpu.memory_space<vmem>>, %arg4: memref<1x128xf32, #tpu.memory_space<vmem>>, %arg5: memref<512x128xf32, #tpu.memory_space<vmem>>, %arg6: memref<512x1xf32, #tpu.memory_space<vmem>>, %arg7: memref<512x128xf32, #tpu.memory_space<vmem>>, %arg8: memref<512x1xf32, #tpu.memory_space<vmem>>) attributes {dimension_semantics = [#tpu.dimension_semantics<arbitrary>], iteration_bounds = array<i64: 90>, scalar_prefetch = 0 : i64, scratch_operands = 2 : i64, tpu.core_type = #tpu.core_type<tc>, window_params = [{transform_indices = @transform_0, window_bounds = array<i64: 1280, 128>}, {transform_indices = @transform_1, window_bounds = array<i64: 1, 1, 1280>}, {pipeline_mode = #tpu.pipeline_mode<synchronous>, transform_indices = @transform_2, window_bounds = array<i64: 128, 128>}, {pipeline_mode = #tpu.pipeline_mode<synchronous>, transform_indices = @transform_3, window_bounds = array<i64: 1, 128>}, {pipeline_mode = #tpu.pipeline_mode<synchronous>, transform_indices = @transform_4, window_bounds = array<i64: 512, 128>}, {pipeline_mode = #tpu.pipeline_mode<synchronous>, transform_indices = @transform_5, window_bounds = array<i64: 512, 1>}]} {
    %eq3A = arith.constant 0 : i32
    %eq3A_0 = arith.cmpi eq, %arg0, %eq3A : i32
    %convert_element_type3A = arith.extui %eq3A_0 : i1 to i32
    %cond3A = arith.constant 0 : i32
    %cond3A_1 = arith.cmpi ne, %convert_element_type3A, %cond3A : i32
    scf.if %cond3A_1 {
      %broadcast_in_dim3A_48 = arith.constant 0.000000e+00 : f32
      %broadcast_in_dim3A_49 = vector.broadcast %broadcast_in_dim3A_48 : f32 to vector<512x128xf32>
      %swap3A_50 = arith.constant 0 : index
      %swap3A_51 = arith.constant 0 : index
      %swap3A_52 = vector.load %arg7[%swap3A_50, %swap3A_51] : memref<512x128xf32, #tpu.memory_space<vmem>>, vector<512x128xf32>
      tpu.vector_store %arg7[%swap3A_50, %swap3A_51], %broadcast_in_dim3A_49 {strides = array<i32>} : memref<512x128xf32, #tpu.memory_space<vmem>>, vector<512x128xf32>,
      %broadcast_in_dim3A_53 = arith.constant 0.000000e+00 : f32
      %broadcast_in_dim3A_54 = vector.broadcast %broadcast_in_dim3A_53 : f32 to vector<512x1xf32>
      %swap3A_55 = arith.constant 0 : index
      %swap3A_56 = arith.constant 0 : index
      %swap3A_57 = vector.load %arg8[%swap3A_55, %swap3A_56] : memref<512x1xf32, #tpu.memory_space<vmem>>, vector<512x1xf32>
      tpu.vector_store %arg8[%swap3A_55, %swap3A_56], %broadcast_in_dim3A_54 {strides = array<i32>} : memref<512x1xf32, #tpu.memory_space<vmem>>, vector<512x1xf32>,
    } else {
    }
    %get3A = arith.constant 0 : index
    %get3A_2 = arith.constant 0 : index
    %get3A_3 = vector.load %arg1[%get3A, %get3A_2] : memref<1280x128xf32, #tpu.memory_space<vmem>>, vector<1280x128xf32>
    %get3A_4 = arith.constant 0 : index
    %get3A_5 = arith.constant 0 : index
    %get3A_6 = vector.load %arg3[%get3A_4, %get3A_5] : memref<128x128xf32, #tpu.memory_space<vmem>>, vector<128x128xf32>
    %dot_general3A = arith.constant dense<0.000000e+00> : vector<1280x128xf32>
    %dot_general3A_7 = tpu.matmul %get3A_3, %get3A_6, %dot_general3A {dimension_numbers = #tpu.dot_dimension_numbers<[1], [0], [0], [1], [0, 0, 1, 1], [], []>, transpose_lhs_hint = false} : vector<1280x128xf32>, vector<128x128xf32>, vector<1280x128xf32> -> vector<1280x128xf32>
    %get3A_8 = arith.constant 0 : index
    %get3A_9 = arith.constant 0 : index
    %get3A_10 = vector.load %arg4[%get3A_8, %get3A_9] : memref<1x128xf32, #tpu.memory_space<vmem>>, vector<1x128xf32>
    %add3A = vector.broadcast %get3A_10 : vector<1x128xf32> to vector<1280x128xf32>
    %add3A_11 = arith.addf %dot_general3A_7, %add3A : vector<1280x128xf32>
    %max3A = arith.constant 0.000000e+00 : f32
    %max3A_12 = vector.broadcast %max3A : f32 to vector<1280x128xf32>
    %max3A_13 = arith.maximumf %add3A_11, %max3A_12 : vector<1280x128xf32>
    %get3A_14 = arith.constant 0 : index
    %get3A_15 = arith.constant 0 : index
    %get3A_16 = arith.constant 0 : index
    %get3A_17 = vector.load %arg2[%get3A_14, %get3A_15, %get3A_16] : memref<1x1x1280xi32, #tpu.memory_space<vmem>>, vector<1x1x1280xi32>
    %get3A_18 = vector.shape_cast %get3A_17 : vector<1x1x1280xi32> to vector<1280xi32>
    %reshape3A = vector.shape_cast %get3A_18 : vector<1280xi32> to vector<1x1280xi32>
    %iota3A = tpu.iota {dimensions = array<i32: 0>} : vector<512x1280xi32>
    %eq3A_19 = vector.broadcast %reshape3A : vector<1x1280xi32> to vector<512x1280xi32>
    %eq3A_20 = arith.cmpi eq, %eq3A_19, %iota3A : vector<512x1280xi32>
    %convert_element_type3A_21 = arith.extui %eq3A_20 : vector<512x1280xi1> to vector<512x1280xi32>
    %convert_element_type3A_22 = arith.sitofp %convert_element_type3A_21 : vector<512x1280xi32> to vector<512x1280xf32>
    %convert_element_type3A_23 = arith.truncf %convert_element_type3A_22 : vector<512x1280xf32> to vector<512x1280xbf16>
    %get3A_24 = arith.constant 0 : index
    %get3A_25 = arith.constant 0 : index
    %get3A_26 = vector.load %arg7[%get3A_24, %get3A_25] : memref<512x128xf32, #tpu.memory_space<vmem>>, vector<512x128xf32>
    %convert_element_type3A_27 = arith.truncf %max3A_13 : vector<1280x128xf32> to vector<1280x128xbf16>
    %dot_general3A_28 = arith.constant dense<0.000000e+00> : vector<512x128xf32>
    %dot_general3A_29 = tpu.matmul %convert_element_type3A_23, %convert_element_type3A_27, %dot_general3A_28 {dimension_numbers = #tpu.dot_dimension_numbers<[1], [0], [0], [1], [0, 0, 1, 1], [], []>, transpose_lhs_hint = false} : vector<512x1280xbf16>, vector<1280x128xbf16>, vector<512x128xf32> -> vector<512x128xf32>
    %add3A_30 = arith.addf %get3A_26, %dot_general3A_29 : vector<512x128xf32>
    %swap3A = arith.constant 0 : index
    %swap3A_31 = arith.constant 0 : index
    %swap3A_32 = vector.load %arg7[%swap3A, %swap3A_31] : memref<512x128xf32, #tpu.memory_space<vmem>>, vector<512x128xf32>
    tpu.vector_store %arg7[%swap3A, %swap3A_31], %add3A_30 {strides = array<i32>} : memref<512x128xf32, #tpu.memory_space<vmem>>, vector<512x128xf32>,
    %get3A_33 = arith.constant 0 : index
    %get3A_34 = arith.constant 0 : index
    %get3A_35 = vector.load %arg8[%get3A_33, %get3A_34] : memref<512x1xf32, #tpu.memory_space<vmem>>, vector<512x1xf32>
    %convert_element_type3A_36 = arith.extui %eq3A_20 : vector<512x1280xi1> to vector<512x1280xi32>
    %convert_element_type3A_37 = arith.sitofp %convert_element_type3A_36 : vector<512x1280xi32> to vector<512x1280xf32>
    %reduce_sum3A = arith.constant dense<0.000000e+00> : vector<512xf32>
    %reduce_sum3A_38 = vector.multi_reduction <add>, %convert_element_type3A_37, %reduce_sum3A [1] : vector<512x1280xf32> to vector<512xf32>
    %broadcast_in_dim3A = vector.shape_cast %reduce_sum3A_38 : vector<512xf32> to vector<512x1xf32>
    %add3A_39 = arith.addf %get3A_35, %broadcast_in_dim3A : vector<512x1xf32>
    %swap3A_40 = arith.constant 0 : index
    %swap3A_41 = arith.constant 0 : index
    %swap3A_42 = vector.load %arg8[%swap3A_40, %swap3A_41] : memref<512x1xf32, #tpu.memory_space<vmem>>, vector<512x1xf32>
    tpu.vector_store %arg8[%swap3A_40, %swap3A_41], %add3A_39 {strides = array<i32>} : memref<512x1xf32, #tpu.memory_space<vmem>>, vector<512x1xf32>,
    %eq3A_43 = arith.constant 89 : i32
    %eq3A_44 = arith.cmpi eq, %arg0, %eq3A_43 : i32
    %convert_element_type3A_45 = arith.extui %eq3A_44 : i1 to i32
    %cond3A_46 = arith.constant 0 : i32
    %cond3A_47 = arith.cmpi ne, %convert_element_type3A_45, %cond3A_46 : i32
    scf.if %cond3A_47 {
      %get3A_48 = arith.constant 0 : index
      %get3A_49 = arith.constant 0 : index
      %get3A_50 = vector.load %arg7[%get3A_48, %get3A_49] : memref<512x128xf32, #tpu.memory_space<vmem>>, vector<512x128xf32>
      %swap3A_51 = arith.constant 0 : index
      %swap3A_52 = arith.constant 0 : index
      %swap3A_53 = vector.load %arg5[%swap3A_51, %swap3A_52] : memref<512x128xf32, #tpu.memory_space<vmem>>, vector<512x128xf32>
      tpu.vector_store %arg5[%swap3A_51, %swap3A_52], %get3A_50 {strides = array<i32>} : memref<512x128xf32, #tpu.memory_space<vmem>>, vector<512x128xf32>,
      %get3A_54 = arith.constant 0 : index
      %get3A_55 = arith.constant 0 : index
      %get3A_56 = vector.load %arg8[%get3A_54, %get3A_55] : memref<512x1xf32, #tpu.memory_space<vmem>>, vector<512x1xf32>
      %swap3A_57 = arith.constant 0 : index
      %swap3A_58 = arith.constant 0 : index
      %swap3A_59 = vector.load %arg6[%swap3A_57, %swap3A_58] : memref<512x1xf32, #tpu.memory_space<vmem>>, vector<512x1xf32>
      tpu.vector_store %arg6[%swap3A_57, %swap3A_58], %get3A_56 {strides = array<i32>} : memref<512x1xf32, #tpu.memory_space<vmem>>, vector<512x1xf32>,
    } else {
    }
    return
  }
  func.func @transform_0(%arg0: i32) -> (i32, i32) {
    %add3A = arith.constant 160 : i32
    %add3A_0 = arith.addi %arg0, %add3A : i32
    %c0_i32 = arith.constant 0 : i32
    %c0_i32_1 = arith.constant 0 : i32
    return %add3A_0, %c0_i32 : i32, i32
  }
  func.func @transform_1(%arg0: i32) -> (i32, i32, i32) {
    %add3A = arith.constant 160 : i32
    %add3A_0 = arith.addi %arg0, %add3A : i32
    %c0_i32 = arith.constant 0 : i32
    %c0_i32_1 = arith.constant 0 : i32
    %c0_i32_2 = arith.constant 0 : i32
    return %add3A_0, %c0_i32, %c0_i32_1 : i32, i32, i32
  }
  func.func @transform_2(%arg0: i32) -> (i32, i32) {
    %c0_i32 = arith.constant 0 : i32
    %c0_i32_0 = arith.constant 0 : i32
    %c0_i32_1 = arith.constant 0 : i32
    return %c0_i32, %c0_i32_0 : i32, i32
  }
  func.func @transform_3(%arg0: i32) -> (i32, i32) {
    %c0_i32 = arith.constant 0 : i32
    %c0_i32_0 = arith.constant 0 : i32
    %c0_i32_1 = arith.constant 0 : i32
    return %c0_i32, %c0_i32_0 : i32, i32
  }
  func.func @transform_4(%arg0: i32) -> (i32, i32) {
    %c0_i32 = arith.constant 0 : i32
    %c0_i32_0 = arith.constant 0 : i32
    %c0_i32_1 = arith.constant 0 : i32
    return %c0_i32, %c0_i32_0 : i32, i32
  }
  func.func @transform_5(%arg0: i32) -> (i32, i32) {
    %c0_i32 = arith.constant 0 : i32
    %c0_i32_0 = arith.constant 0 : i32
    %c0_i32_1 = arith.constant 0 : i32
    return %c0_i32, %c0_i32_0 : i32, i32
  }
}

</mosaic_0001>

<sc_bundles>
// kernel: kernel.6.cloned.1.call-start
scs
__scs_entry_jumppad:
0x0: {  	(pc) =	sbr.rel $0x88, $3  }
0x1: {  	(tag) =	ssettag $0x0;
	lr =	simm.s32 $0x1  }
0x2: {  	[smem:$0x3F9B] =	sst lr;
	_ =	strace $0xD0000000  }
0x3: {  	_ = 	snop  }
0x4: {  	_ = 	snop  }
0x5: {  	_ = 	snop  }
0x6: {  	_ = 	snop  }
0x7: {  	_ = 	snop  }
__scs_overlays_trampoline_lowered:
0x8: {  	[smem:$0x3FAA] =	sst s0  }
0x9: {  	[smem:$0x3FAB] =	sst s1  }
0xa: {  	[smem:$0x3FAC] =	sst s2  }
0xb: {  	[smem:$0x3FAD] =	sst s3  }
0xc: {  	[smem:$0x3FAE] =	sst s4  }
0xd: {  	[smem:$0x3FAF] =	sst s5  }
0xe: {  	[smem:$0x3FB0] =	sst s6  }
0xf: {  	[smem:$0x3FB1] =	sst s7  }
0x10: {  	[smem:$0x3FB2] =	sst s8  }
0x11: {  	[smem:$0x3FB3] =	sst s9;
	s0 =	simm.s32 @!p0 $0x0  }
0x12: {  	s1 =	sld [smem:$0x3F99];
	s0 =	simm.s32 @p0 $0x1  }
0x13: {  	[smem:$0x3FB4] =	sst s0;
	s0 =	simm.s32 @!p1 $0x0  }
0x14: {  	s2 =	sld [smem:$0x3F98];
	s0 =	simm.s32 @p1 $0x1  }
0x15: {  	[smem:$0x3FB5] =	sst s0;
	s0 =	simm.s32 @!p2 $0x0  }
0x16: {  	s3 =	sld [smem:$0x3FDB];
	s0 =	simm.s32 @p2 $0x1  }
0x17: {  	s4 =	simm.s32 $0x1BF5;
	[smem:$0x3FB7] =	sst s0  }
0x18: {  	s0 =	sld [smem:$0x3F9A];
	_ =	swait.ge [sflag:s4], $0x0  }
0x19: {  	s7 =	sld [smem:$0x3F9B]  }
0x1a: {  	s8 =	sadd.s32 $0xFFFFE003, lr  }
0x1b: {  	s9 =	sadd.s32 $0xFFFFFEF7, lr;
	s5 =	simm.s32 $0xFFFFFFFF;
	p2 =	slt.u32 s8, $0xFFFFF086  }
0x1c: {  	p1 =	slt.u32 s9, $0xF7A;
	s5 =	simm.s32 @!p2 $0x0  }
0x1d: {  	s5 =	simm.s32 @p1 $0x1;
	p0 =	seq.s32 s7, s2  }
0x1e: {  	s7 =	smul.u32 @!p0 $0xF7A, s2;
	p2 =	seq.s32 @!p0 s5, $0x0  }
0x1f: {  	s9 =	smul.u32 $0xF7A, s1;
	s8 =	simm.s32 @!p0 $0x1BF5;
	p2 =	por !p2, p0  }
0x20: {  	[sflag:s8] =	ssyncset.s32 @!p0 $0xFFFFF086;
	s6 =	sadd.s32 @!p0 s3, s7;
	s7 =	simm.s32 @!p0 $0x108  }
0x21: {  	s3 =	sadd.s32 s3, s9;
	s6 =	sadd.s32 @!p0 $0x88, s6;
	s7 =	simm.s32 @p2 $0x1082  }
0x22: {  	[simem:s7], [sflag:s8] =	dma.local @!p0 [hbm:s6], $0xF7A  }
0x23: {  	s9 =	sor.u32 $0xD0000000, s2;
	s6 =	simm.s32 $0x108;
	_ =	swait.ge @!p0 [sflag:s8], $0x0  }
0x24: {  	s3 =	sadd.s32 $0x88, s3;
	s6 =	simm.s32 @!p1 $0x1082;
	[sflag:s4] =	ssyncset.s32 $0xFFFFF086  }
0x25: {  	[simem:s6], [sflag:s4] =	dma.local [hbm:s3], $0xF7A  }
0x26: {  	[smem:$0x3F9B] =	sst s1;
	(tag) =	ssettag s2;
	_ =	strace s9  }
0x27: {  	s1 =	sld [smem:$0x3FAB]  }
0x28: {  	s2 =	sld [smem:$0x3FAC]  }
0x29: {  	s4 =	sld [smem:$0x3FAE]  }
0x2a: {  	p0 =	seq.s32 s5, $0x0;
	s5 =	sld [smem:$0x3FAF]  }
0x2b: {  	s6 =	sld [smem:$0x3FB0]  }
0x2c: {  	s7 =	sld [smem:$0x3FB1]  }
0x2d: {  	s3 =	simm.s32 $0x108;
	s8 =	sld [smem:$0x3FB2]  }
0x2e: {  	s3 =	simm.s32 @!p0 $0x1082;
	s9 =	sld [smem:$0x3FB3]  }
0x2f: {  	lr =	sadd.s32 s0, s3;
	s0 =	sld [smem:$0x3FAA]  }
0x30: {  	s3 =	sld [smem:$0x3FAD]  }
0x31: {  	[smem:$0x3FB6] =	sst s10  }
0x32: {  	s10 =	sld [smem:$0x3FB4];
	_ =	sdelay $0x3  }
0x33: {  	p0 =	seq.s32 s10, $0x1;
	s10 =	sld [smem:$0x3FB6];
	_ =	sdelay $0x3  }
0x34: {  	[smem:$0x3FB6] =	sst s10  }
0x35: {  	s10 =	sld [smem:$0x3FB5];
	_ =	sdelay $0x3  }
0x36: {  	p1 =	seq.s32 s10, $0x1;
	s10 =	sld [smem:$0x3FB6];
	_ =	sdelay $0x3  }
0x37: {  	[smem:$0x3FB6] =	sst s10  }
0x38: {  	s10 =	sld [smem:$0x3FB7]  }
0x39: {  	_ = 	snop;
	(pc) =	sbr.ind lr, $3  }
0x3a: {  	_ = 	snop  }
0x3b: {  	_ = 	snop  }
0x3c: {  	p2 =	seq.s32 s10, $0x1;
	s10 =	sld [smem:$0x3FB6]  }
0x3d: {  	_ =	shalt  }
0x3e: {  	_ =	shalt  }
0x3f: {  	_ =	shalt  }
0x40: {  	_ =	shalt  }
0x41: {  	_ =	shalt  }
0x42: {  	_ =	shalt  }
0x43: {  	_ =	shalt  }
0x44: {  	_ =	shalt  }
0x45: {  	_ =	shalt  }
0x46: {  	_ =	shalt  }
0x47: {  	_ =	shalt  }
0x48: {  	_ =	shalt  }
0x49: {  	_ =	shalt  }
0x4a: {  	_ =	shalt  }
0x4b: {  	_ =	shalt  }
0x4c: {  	_ =	shalt  }
0x4d: {  	_ =	shalt  }
0x4e: {  	_ =	shalt  }
0x4f: {  	_ =	shalt  }
0x50: {  	_ =	shalt  }
0x51: {  	_ =	shalt  }
0x52: {  	_ =	shalt  }
0x53: {  	_ =	shalt  }
0x54: {  	_ =	shalt  }
0x55: {  	_ =	shalt  }
0x56: {  	_ =	shalt  }
0x57: {  	_ =	shalt  }
0x58: {  	_ =	shalt  }
0x59: {  	_ =	shalt  }
0x5a: {  	_ =	shalt  }
0x5b: {  	_ =	shalt  }
0x5c: {  	_ =	shalt  }
0x5d: {  	_ =	shalt  }
0x5e: {  	_ =	shalt  }
0x5f: {  	_ =	shalt  }
0x60: {  	_ =	shalt  }
0x61: {  	_ =	shalt  }
0x62: {  	_ =	shalt  }
0x63: {  	_ =	shalt  }
0x64: {  	_ =	shalt  }
0x65: {  	_ =	shalt  }
0x66: {  	_ =	shalt  }
0x67: {  	_ =	shalt  }
0x68: {  	_ =	shalt  }
0x69: {  	_ =	shalt  }
0x6a: {  	_ =	shalt  }
0x6b: {  	_ =	shalt  }
0x6c: {  	_ =	shalt  }
0x6d: {  	_ =	shalt  }
0x6e: {  	_ =	shalt  }
0x6f: {  	_ =	shalt  }
0x70: {  	_ =	shalt  }
0x71: {  	_ =	shalt  }
0x72: {  	_ =	shalt  }
0x73: {  	_ =	shalt  }
0x74: {  	_ =	shalt  }
0x75: {  	_ =	shalt  }
0x76: {  	_ =	shalt  }
0x77: {  	_ =	shalt  }
0x78: {  	_ =	shalt  }
0x79: {  	_ =	shalt  }
0x7a: {  	_ =	shalt  }
0x7b: {  	_ =	shalt  }
0x7c: {  	_ =	shalt  }
0x7d: {  	_ =	shalt  }
0x7e: {  	_ =	shalt  }
0x7f: {  	_ =	shalt  }
0x80: {  	_ =	shalt  }
0x81: {  	_ =	shalt  }
0x82: {  	_ =	shalt  }
0x83: {  	_ =	shalt  }
0x84: {  	_ =	shalt  }
0x85: {  	_ =	shalt  }
0x86: {  	_ =	shalt  }
0x87: {  	_ =	shalt  }
.Lfunc_end0:
.L_simem_size_0:
called_computation_lowered:
.L_overlay_start_0:
0x88: {  	s2 =	sld [smem:$0x3FD9]  }
0x89: {  	s3 =	sld [smem:$0x3FFE];
	_ =	sdelay $0x1  }
0x8a: {  	s1 =	srdreg.scid  }
0x8b: {  	s0 =	sand.u32 $0x1, s1  }
0x8c: {  	s17 =	sshll.u32 s0, $0xA;
	s2 =	sadd.s32 s3, s2  }
0x8d: {  	s2 =	sadd.s32 s2, s17  }
0x8e: {  	[smem:$0x3FC2] =	sst s2  }
0x8f: {  	_ = 	snop  }
0x90: {  	s2 =	sld [smem:$0x3FC8];
	(tm) =	ssettm $0x1  }
0x91: {  	s18 =	sld [smem:$0x3FFB];
	_ =	sdelay $0x3  }
0x92: {  	_ =	strace s18  }
0x93: {  	s3 =	sld [smem:$0x3FFC];
	_ =	sdelay $0x3  }
0x94: {  	_ =	strace s3  }
0x95: {  	s3 =	sld [smem:$0x3FFD];
	_ =	sdelay $0x3  }
0x96: {  	_ =	strace s3  }
0x97: {  	_ =	strace $0x8FFFFFFF  }
0x98: {  	s19 =	sld [smem:$0x3FDB];
	_ =	sdelay $0x1  }
0x99: {  	s4 =	simm.s32 $_scs_section_size  }
0x9a: {  	s5 =	simm.s32 $_size__tile_overlayer_lowered;
	s6 =	simm.s32 $_tile_overlayer_lowered  }
0x9b: {  	s22 =	simm.s32 $0x1BFF;
	s21 =	sshll.u32 s6, $0x1;
	s3 =	sadd.s32 s4, s19  }
0x9c: {  	s7 =	simm.s32 $0x0;
	s20 =	sshll.u32 s5, $0x1;
	s5 =	sadd.s32 s21, s3  }
0x9d: {  	[timem:s7], [sflag:s22] =	dma.local [hbm:s5], s20  }
0x9e: {  	_ =	swait.ge [sflag:s22], s20  }
0x9f: {  	s4 =	ssub.s32 $0x0, s20;
	[sflag:s22] =	ssyncset.done $0x0  }
0xa0: {  	[sflag:s22] =	ssyncadd.s32 s4;
	_ =	sdelay $0x1  }
0xa1: {  	s23 =	simm.s32 $0x1B8B  }
0xa2: {  	_ =	swait.ge [sflag:s23], $0x1  }
0xa3: {  	[sflag:s23] =	ssyncset.done $0x0  }
0xa4: {  	s25 =	simm.s32 $0x1B8E;
	s24 =	sld [smem:$0x3FFE];
	[sflag:s23] =	ssyncadd.s32 $0xFFFFFFFF  }
0xa5: {  	s26 =	simm.s32 $execute0_lowered;
	[smem:$0x3FD2] =	sst s25  }
0xa6: {  	s5 =	sshll.u32 s26, $0x1;
	_ =	strace $0x80000046;
	[dreg:$0x1] =	wrdreg $0xFFFFFFFF  }
0xa7: {  	s28 =	simm.s32 $_size_execute0_lowered;
	s3 =	sadd.s32 s3, s5;
	[dreg:$0x0] =	wrdreg $0x0  }
0xa8: {  	s5 =	sshll.u32 s28, $0x1;
	[dreg:$0x2] =	wrdreg s3  }
0xa9: {  	[dreg:$0x3] =	wrdreg s5  }
0xaa: {  	[dreg:$0x4] =	wrdreg $0xC0  }
0xab: {  	_ =	task [dreg:s7], $0x5FFFF  }
0xac: {  	[dreg:$0x1] =	wrdreg $0xFFFFFFFF  }
0xad: {  	[dreg:$0x0] =	wrdreg $0x60  }
0xae: {  	[dreg:$0x2] =	wrdreg s24  }
0xaf: {  	[dreg:$0x3] =	wrdreg s2  }
0xb0: {  	[dreg:$0x4] =	wrdreg $0x1A2000  }
0xb1: {  	[dreg:$0x5] =	wrdreg $0x9  }
0xb2: {  	_ =	task.clear_ibuf [dreg:s7], $0x6FFFF;
	_ =	strace $0x90000046  }
0xb3: {  	s29 =	simm.s32 $0x9;
	_ =	strace $0x80000048  }
0xb4: {  	_ =	swait.ge [sflag:s29], $0x1  }
0xb5: {  	[sflag:s29] =	ssyncadd.s32 $0xFFFFFFFF  }
0xb6: {  	_ =	strace $0x90000048  }
0xb7: {  	_ =	sfence  }
0xb8: {  	s30 =	sld [smem:$0x0];
	_ =	sdelay $0x2  }
0xb9: {  	s31 =	sshll.u32 s1, $0xD;
	s1 =	sshrl.u32 s1, $0x2  }
0xba: {  	s3 =	sand.u32 $0x4000, s31;
	s1 =	sadd.s32 s1, s30  }
0xbb: {  	s0 =	sor.u32 s3, s0;
	s1 =	sshll.u32 s1, $0x11  }
0xbc: {  	s0 =	sor.u32 s1, s0  }
0xbd: {  	s0 =	sadd.s32 $0x8F2B, s0  }
0xbe: {  	[sflag:s0] =	ssyncadd.remote.s32 $0x1  }
0xbf: {  	_ =	sfence.sel $0xFFFF  }
0xc0: {  	[dreg:$0x0] =	wrdreg $0xFFFFFFFF;
	(pc) =	sbr.abs _section_cstart, $3  }
0xc1: {  	[dreg:$0x1] =	wrdreg $0xFFFFFFFF  }
0xc2: {  	_ =	task.clear_ibuf [dreg:s7], $0x2FFFF;
	_ =	strace $0x9FFFFFFF  }
0xc3: {  	(tm) =	ssettm $0x7FFFFFFF  }
tec
execute0_lowered:
.L_overlay_start_1:
0x0: {  	(tag) =	ssettag $0x1  }
0x1: {  	s4 =	rddreg [dreg:$0x0]  }
0x2: {  	s1 =	rddreg [dreg:$0x1]  }
0x3: {  	s2 =	rddreg [dreg:$0x2];
	s3 =	simm.s32 $0x0;
	s5 =	srdreg.scid  }
0x4: {  	s15 =	stileid.u32;
	s19 =	simm.s32 $0xA100;
	s20 =	simm.s32 $0xA0  }
0x5: {  	s21 =	simm.s32 $0x5;
	s22 =	simm.s32 $0xA200;
	s23 =	simm.s32 $0x2  }
0x6: {  	s24 =	simm.s32 $0x4;
	s25 =	simm.s32 $0x0;
	[smem:$0x7FF] =	sst s3  }
0x7: {  	s11 =	sand.u32 $0x1, s5;
	s6 =	sshll.u32 s15, $0x1;
	s16 =	smul.u32 $0x3200, s15  }
0x8: {  	s12 =	sadd.s32 $0x1800, s4;
	s29 =	smul.u32 $0x32000, s15;
	p0 =	sne.s32 s15, $0x0  }
0x9: {  	s15 =	simm.s32 $0xA000;
	_ =	strace $0x80000047;
	s17 =	smul.u32 $0x1900, s11  }
0xa: {  	s5 =	sshll.u32 s11, $0xD;
	s26 =	sor.u32 s11, s6;
	s30 =	smul.u32 $0x19000, s11  }
0xb: {  	s7 =	ssub.s32 $0x2, s11;
	s10 =	sadd.s32 s5, s4;
	s8 =	smul.u32 $0x1900, s26  }
0xc: {  	s6 =	sshll.u32 s26, $0xD;
	s28 =	sshrl.u32 s7, $0x1;
	s13 =	smul.u32 $0x19000, s26  }
0xd: {  	s5 =	sadd.s32 $0xA000, s2;
	s9 =	sadd.s32 s6, s4;
	s14 =	ssub.s32 s7, s28  }
0xe: {  	s4 =	sadd.s32 $0x5000, s2;
	s6 =	sadd.s32 $0xF000, s2;
	s16 =	sadd.s32 s17, s16  }
0xf: {  	s10 =	sadd.s32 $0x361800, s10;
	s17 =	simm.s32 $0x3;
	s8 =	sshrl.u32 s8, $0x3  }
0x10: {  	s7 =	sadd.s32 s12, s13;
	s9 =	sadd.s32 $0x321800, s9;
	s18 =	sor.u32 $0xA0, s16  }
0x11: {  	s11 =	smax.u32 s14, $0x1;
	s12 =	sadd.s32 s29, s12;
	s13 =	sadd.s32 $0x140, s16  }
0x12: {  	s16 =	simm.s32 $0x1;
	s8 =	sadd.s32 s1, s8;
	s31 =	sshrl.u32 s18, $0x3  }
0x13: {  	v0 =	vimm.f32 $0.0e+00;
	v1 =	vlaneseq.u32;
	v2 =	vimm.f32 $1.000000000e+00;
	s12 =	sadd.s32 s30, s12;
	s18 =	simm.s32 $0x5000;
	s14 =	sadd.s32 s31, s1  }
.LBB2_1:
0x14: {  	s26 =	simm.s32 $0x0  }
.LBB2_2:
0x15: {  	p1 =	sne.s32 s26, $0x3FE00  }
.Ltmp0:
0x16: {  	_ = 	snop;
	(pc) =	sbr.rel @p1 .LBB2_2-.Ltmp0, $3  }
0x17: {  	_ =	sdelay $0x1  }
0x18: {  	s28 =	sshra.s32 s26, $0x2  }
0x19: {  	s26 =	sadd.s32 $0x200, s26;
	[tilespmem:s28+$0xA200] =	vst v0  }
0x1a: {  	s26 =	simm.s32 $0x0;
	s28 =	simm.s32 $0x200  }
.LBB2_4:
0x1b: {  	p1 =	sne.s32 s28, $0x13E00;
	[tilespmem:s26+$0x70] =	vst v0  }
0x1c: {  	[tilespmem:s26+$0x0] =	vst v0  }
0x1d: {  	[tilespmem:s26+$0x10] =	vst v0  }
.Ltmp1:
0x1e: {  	[tilespmem:s26+$0x20] =	vst v0;
	(pc) =	sbr.rel @p1 .LBB2_4-.Ltmp1, $4  }
0x1f: {  	[tilespmem:s26+$0x30] =	vst v0  }
0x20: {  	[tilespmem:s26+$0x40] =	vst v0  }
0x21: {  	[tilespmem:s26+$0x50] =	vst v0  }
0x22: {  	[tilespmem:s26+$0x60] =	vst v0;
	s26 =	sshra.s32 s28, $0x2;
	s28 =	sadd.s32 $0x200, s28  }
0x23: {  	[tilespmem:s26+$0x70] =	vst v0  }
0x24: {  	[tilespmem:s26+$0x0] =	vst v0  }
0x25: {  	[tilespmem:s26+$0x10] =	vst v0  }
0x26: {  	[tilespmem:s26+$0x20] =	vst v0  }
0x27: {  	[tilespmem:s26+$0x30] =	vst v0  }
0x28: {  	[tilespmem:s26+$0x40] =	vst v0  }
0x29: {  	[tilespmem:s26+$0x50] =	vst v0  }
0x2a: {  	[tilespmem:s26+$0x60] =	vst v0;
	s26 =	simm.s32 @!p0 $0x0;
	s28 =	simm.s32 @!p0 $0x5  }
0x2b: {  	[spmem:s2] =	stream.linear.scatter @!p0 [tilespmem:s26], [sflag:$0x5], $0x5000, $0x38;
	[tilespmem:$0x1B200] =	vst v63  }
0x2c: {  	_ =	swait.ge @!p0 [sflag:s28], $0x5000  }
0x2d: {  	[sflag:s28] =	ssyncset.done @!p0 $0x0  }
0x2e: {  	[sflag:s28] =	ssyncadd.s32 @!p0 $0xFFFFB000  }
0x2f: {  	[spmem:s4] =	stream.linear.scatter @!p0 [tilespmem:s26], [sflag:$0x5], $0x5000, $0x38;
	[tilespmem:$0x1B200] =	vst v63  }
0x30: {  	_ =	swait.ge @!p0 [sflag:s28], $0x5000  }
0x31: {  	[sflag:s28] =	ssyncset.done @!p0 $0x0  }
0x32: {  	[sflag:s28] =	ssyncadd.s32 @!p0 $0xFFFFB000  }
0x33: {  	[spmem:s5] =	stream.linear.scatter @!p0 [tilespmem:s26], [sflag:$0x5], $0x5000, $0x38;
	[tilespmem:$0x1B200] =	vst v63  }
0x34: {  	_ =	swait.ge @!p0 [sflag:s28], $0x5000  }
0x35: {  	[sflag:s28] =	ssyncset.done @!p0 $0x0  }
0x36: {  	[sflag:s28] =	ssyncadd.s32 @!p0 $0xFFFFB000  }
0x37: {  	[spmem:s6] =	stream.linear.scatter @!p0 [tilespmem:s26], [sflag:$0x5], $0x1000, $0x38;
	[tilespmem:$0x1B200] =	vst v63  }
0x38: {  	_ =	swait.ge @!p0 [sflag:s28], $0x1000  }
0x39: {  	[sflag:s28] =	ssyncset.done @!p0 $0x0  }
0x3a: {  	[sflag:s28] =	ssyncadd.s32 @!p0 $0xFFFFF000  }
0x3b: {  	s26 =	simm.s32 $0x0;
	[bflag:$0x0] =	sbarrier.arrive $0xFFFF  }
0x3c: {  	[tilespmem:s26], [sflag:$0x1] =	stream.linear.gather [hbm4b:s7+s26], $0x5000, $0x38;
	[tilespmem:$0x1B200] =	vst v63  }
0x3d: {  	s29 =	smov.u32 s13;
	s28 =	smov.u32 s14  }
0x3e: {  	[tilespmem:s15], [sflag:$0x3] =	stream.linear.gather [hbm4b:s8+s26], $0xA0, $0x38;
	[tilespmem:$0x1B200] =	vst v63  }
.LBB2_6:
0x3f: {  	_ =	swait.ge [sflag:s16], $0x5000  }
0x40: {  	[sflag:s16] =	ssyncset.done $0x0  }
0x41: {  	[sflag:s16] =	ssyncadd.s32 $0xFFFFB000  }
0x42: {  	_ =	swait.ge [sflag:s17], $0xA0  }
0x43: {  	s30 =	sadd.s32 s26, s12;
	[sflag:s17] =	ssyncset.done $0x0  }
0x44: {  	s30 =	sadd.s32 $0xA00, s30;
	[sflag:s17] =	ssyncadd.s32 $0xFFFFFF60  }
0x45: {  	[tilespmem:s18], [sflag:$0x2] =	stream.linear.gather [hbm4b:s30+s3], $0x5000, $0x38;
	[tilespmem:$0x1B200] =	vst v63  }
0x46: {  	_ = 	snop  }
0x47: {  	[tilespmem:s19], [sflag:$0x4] =	stream.linear.gather [hbm4b:s28+s3], $0xA0, $0x38;
	[tilespmem:$0x1B200] =	vst v63  }
0x48: {  	_ = 	snop  }
0x49: {  	[spmem:s2] =	stream.indirect.scatter.add.f32 [tilespmem:s3], [sflag:$0x5], $0x80, s15, s20, $0xb8;
	[tilespmem:$0x1B200] =	vst v63  }
0x4a: {  	_ =	swait.ge [sflag:s21], $0x5000  }
0x4b: {  	[sflag:s21] =	ssyncset.done $0x0  }
0x4c: {  	[sflag:s21] =	ssyncadd.s32 $0xFFFFB000  }
0x4d: {  	v3 =	vld [tilespmem:$0xA000];
	_ =	sdelay $0x4  }
0x4e: {  	v3 =	vshll.u32 v3, $0x7  }
0x4f: {  	v3 =	vor.u32 v1, v3;
	_ =	sdelay $0x4  }
0x50: {  	[tilespmem:v3+s22+$0x0] =	vst.idx.add.f32.msk $0xffff, v2  }
0x51: {  	v3 =	vld [tilespmem:$0xA010];
	_ =	sdelay $0x4  }
0x52: {  	v3 =	vshll.u32 v3, $0x7  }
0x53: {  	v3 =	vor.u32 v1, v3;
	_ =	sdelay $0x4  }
0x54: {  	[tilespmem:v3+s22+$0x0] =	vst.idx.add.f32.msk $0xffff, v2  }
0x55: {  	v3 =	vld [tilespmem:$0xA020];
	_ =	sdelay $0x4  }
0x56: {  	v3 =	vshll.u32 v3, $0x7  }
0x57: {  	v3 =	vor.u32 v1, v3;
	_ =	sdelay $0x4  }
0x58: {  	[tilespmem:v3+s22+$0x0] =	vst.idx.add.f32.msk $0xffff, v2  }
0x59: {  	v3 =	vld [tilespmem:$0xA030];
	_ =	sdelay $0x4  }
0x5a: {  	v3 =	vshll.u32 v3, $0x7  }
0x5b: {  	v3 =	vor.u32 v1, v3;
	_ =	sdelay $0x4  }
0x5c: {  	[tilespmem:v3+s22+$0x0] =	vst.idx.add.f32.msk $0xffff, v2  }
0x5d: {  	v3 =	vld [tilespmem:$0xA040];
	_ =	sdelay $0x4  }
0x5e: {  	v3 =	vshll.u32 v3, $0x7  }
0x5f: {  	v3 =	vor.u32 v1, v3;
	_ =	sdelay $0x4  }
0x60: {  	[tilespmem:v3+s22+$0x0] =	vst.idx.add.f32.msk $0xffff, v2  }
0x61: {  	v3 =	vld [tilespmem:$0xA050];
	_ =	sdelay $0x4  }
0x62: {  	v3 =	vshll.u32 v3, $0x7  }
0x63: {  	v3 =	vor.u32 v1, v3;
	_ =	sdelay $0x4  }
0x64: {  	[tilespmem:v3+s22+$0x0] =	vst.idx.add.f32.msk $0xffff, v2  }
0x65: {  	v3 =	vld [tilespmem:$0xA060];
	_ =	sdelay $0x4  }
0x66: {  	v3 =	vshll.u32 v3, $0x7  }
0x67: {  	v3 =	vor.u32 v1, v3;
	_ =	sdelay $0x4  }
0x68: {  	[tilespmem:v3+s22+$0x0] =	vst.idx.add.f32.msk $0xffff, v2  }
0x69: {  	v3 =	vld [tilespmem:$0xA070];
	_ =	sdelay $0x4  }
0x6a: {  	v3 =	vshll.u32 v3, $0x7  }
0x6b: {  	v3 =	vor.u32 v1, v3;
	_ =	sdelay $0x4  }
0x6c: {  	[tilespmem:v3+s22+$0x0] =	vst.idx.add.f32.msk $0xffff, v2  }
0x6d: {  	v3 =	vld [tilespmem:$0xA080];
	_ =	sdelay $0x4  }
0x6e: {  	v3 =	vshll.u32 v3, $0x7  }
0x6f: {  	v3 =	vor.u32 v1, v3;
	_ =	sdelay $0x4  }
0x70: {  	[tilespmem:v3+s22+$0x0] =	vst.idx.add.f32.msk $0xffff, v2  }
0x71: {  	v3 =	vld [tilespmem:$0xA090];
	_ =	sdelay $0x4  }
0x72: {  	v3 =	vshll.u32 v3, $0x7  }
0x73: {  	v3 =	vor.u32 v1, v3;
	_ =	sdelay $0x4  }
0x74: {  	[tilespmem:v3+s22+$0x0] =	vst.idx.add.f32.msk $0xffff, v2  }
0x75: {  	_ =	swait.ge [sflag:s23], $0x5000  }
0x76: {  	[sflag:s23] =	ssyncset.done $0x0  }
0x77: {  	[sflag:s23] =	ssyncadd.s32 $0xFFFFB000  }
0x78: {  	p1 =	seq.s32 s26, $0x17C00;
	_ =	swait.ge [sflag:s24], $0xA0  }
0x79: {  	s30 =	sadd.s32 @!p1 s26, s12;
	[sflag:s24] =	ssyncset.done $0x0  }
0x7a: {  	s31 =	simm.s32 @!p1 $0x0;
	s30 =	sadd.s32 @!p1 $0x1400, s30;
	[sflag:s24] =	ssyncadd.s32 $0xFFFFFF60  }
0x7b: {  	[tilespmem:s31], [sflag:$0x1] =	stream.linear.gather @!p1 [hbm4b:s30+s31], $0x5000, $0x38;
	[tilespmem:$0x1B200] =	vst v63  }
0x7c: {  	s30 =	sshrl.u32 @!p1 s29, $0x3  }
0x7d: {  	s0 =	simm.s32 @!p1 $0xA000;
	s30 =	sadd.s32 @!p1 s1, s30  }
0x7e: {  	[tilespmem:s0], [sflag:$0x3] =	stream.linear.gather @!p1 [hbm4b:s30+s31], $0xA0, $0x38;
	[tilespmem:$0x1B200] =	vst v63  }
0x7f: {  	_ = 	snop  }
0x80: {  	[spmem:s2] =	stream.indirect.scatter.add.f32 [tilespmem:s18], [sflag:$0x5], $0x80, s19, s20, $0xb8;
	[tilespmem:$0x1B200] =	vst v63  }
0x81: {  	_ =	swait.ge [sflag:s21], $0x5000  }
0x82: {  	[sflag:s21] =	ssyncset.done $0x0  }
0x83: {  	[sflag:s21] =	ssyncadd.s32 $0xFFFFB000  }
0x84: {  	v3 =	vld [tilespmem:$0xA100];
	_ =	sdelay $0x4  }
0x85: {  	v3 =	vshll.u32 v3, $0x7  }
0x86: {  	v3 =	vor.u32 v1, v3;
	_ =	sdelay $0x4  }
0x87: {  	[tilespmem:v3+s22+$0x0] =	vst.idx.add.f32.msk $0xffff, v2  }
0x88: {  	v3 =	vld [tilespmem:$0xA110];
	_ =	sdelay $0x4  }
0x89: {  	v3 =	vshll.u32 v3, $0x7  }
0x8a: {  	v3 =	vor.u32 v1, v3;
	_ =	sdelay $0x4  }
0x8b: {  	[tilespmem:v3+s22+$0x0] =	vst.idx.add.f32.msk $0xffff, v2  }
0x8c: {  	v3 =	vld [tilespmem:$0xA120];
	_ =	sdelay $0x4  }
0x8d: {  	v3 =	vshll.u32 v3, $0x7  }
0x8e: {  	v3 =	vor.u32 v1, v3;
	_ =	sdelay $0x4  }
0x8f: {  	[tilespmem:v3+s22+$0x0] =	vst.idx.add.f32.msk $0xffff, v2  }
0x90: {  	v3 =	vld [tilespmem:$0xA130];
	_ =	sdelay $0x4  }
0x91: {  	v3 =	vshll.u32 v3, $0x7  }
0x92: {  	v3 =	vor.u32 v1, v3;
	_ =	sdelay $0x4  }
0x93: {  	[tilespmem:v3+s22+$0x0] =	vst.idx.add.f32.msk $0xffff, v2  }
0x94: {  	v3 =	vld [tilespmem:$0xA140];
	_ =	sdelay $0x4  }
0x95: {  	v3 =	vshll.u32 v3, $0x7  }
0x96: {  	v3 =	vor.u32 v1, v3;
	_ =	sdelay $0x4  }
0x97: {  	[tilespmem:v3+s22+$0x0] =	vst.idx.add.f32.msk $0xffff, v2  }
0x98: {  	v3 =	vld [tilespmem:$0xA150];
	_ =	sdelay $0x4  }
0x99: {  	v3 =	vshll.u32 v3, $0x7  }
0x9a: {  	v3 =	vor.u32 v1, v3;
	_ =	sdelay $0x4  }
0x9b: {  	[tilespmem:v3+s22+$0x0] =	vst.idx.add.f32.msk $0xffff, v2  }
0x9c: {  	v3 =	vld [tilespmem:$0xA160];
	_ =	sdelay $0x4  }
0x9d: {  	v3 =	vshll.u32 v3, $0x7  }
0x9e: {  	v3 =	vor.u32 v1, v3;
	_ =	sdelay $0x4  }
0x9f: {  	[tilespmem:v3+s22+$0x0] =	vst.idx.add.f32.msk $0xffff, v2  }
0xa0: {  	v3 =	vld [tilespmem:$0xA170];
	_ =	sdelay $0x4  }
0xa1: {  	v3 =	vshll.u32 v3, $0x7  }
0xa2: {  	v3 =	vor.u32 v1, v3;
	_ =	sdelay $0x4  }
0xa3: {  	[tilespmem:v3+s22+$0x0] =	vst.idx.add.f32.msk $0xffff, v2  }
0xa4: {  	v3 =	vld [tilespmem:$0xA180];
	_ =	sdelay $0x4  }
0xa5: {  	v3 =	vshll.u32 v3, $0x7  }
0xa6: {  	v3 =	vor.u32 v1, v3;
	_ =	sdelay $0x4  }
0xa7: {  	[tilespmem:v3+s22+$0x0] =	vst.idx.add.f32.msk $0xffff, v2  }
0xa8: {  	v3 =	vld [tilespmem:$0xA190];
	_ =	sdelay $0x4  }
0xa9: {  	s26 =	sadd.s32 $0x1400, s26;
	v3 =	vshll.u32 v3, $0x7  }
0xaa: {  	p1 =	sne.s32 s26, $0x19000;
	v3 =	vor.u32 v1, v3  }
.Ltmp2:
0xab: {  	_ = 	snop;
	(pc) =	sbr.rel @p1 .LBB2_6-.Ltmp2, $2  }
0xac: {  	_ =	sdelay $0x2  }
0xad: {  	s28 =	sadd.s32 $0x28, s28;
	s29 =	sadd.s32 $0x140, s29;
	[tilespmem:v3+s22+$0x0] =	vst.idx.add.f32.msk $0xffff, v2  }
0xae: {  	[bflag:$0x0] =	sbarrier.arrive $0xFFFF  }
0xaf: {  	[hbm4b:s9+s3] =	stream.linear.scatter [tilespmem:s22], [sflag:$0x5], $0x10000, $0x38;
	[tilespmem:$0x1B200] =	vst v63  }
0xb0: {  	_ =	swait.ge [sflag:s21], $0x10000  }
0xb1: {  	s0 =	sshrl.u32 @!p0 s2, $0x3;
	s25 =	sadd.s32 $0x1, s25;
	[sflag:s21] =	ssyncset.done $0x0  }
0xb2: {  	s26 =	simm.s32 @!p0 $0x1C05;
	p1 =	sne.s32 s25, s11;
	[sflag:s21] =	ssyncadd.s32 $0xFFFF0000  }
0xb3: {  	[hbm:s10], [sflag:s26] =	dma.local @!p0 [spmem:s0], $0x2000  }
.Ltmp3:
0xb4: {  	_ = 	snop;
	(pc) =	sbr.rel @p1 .LBB2_1-.Ltmp3, $4  }
0xb5: {  	s0 =	simm.s32 @!p0 $0x5  }
0xb6: {  	_ =	swait.ge @!p0 [sflag:s0], $0x2000  }
0xb7: {  	[sflag:s0] =	ssyncset.done @!p0 $0x0  }
0xb8: {  	[sflag:s0] =	ssyncadd.s32 @!p0 $0xFFFFE000  }
0xb9: {  	_ =	sfence.sel $0x180000  }
0xba: {  	[bflag:$0x0] =	sbarrier.arrive $0xFFFF  }
0xbb: {  	_ =	strace $0x90000047  }
0xbc: {  	[bflag:$0x2] =	sbarrier.arrive $0xFFFF  }
0xbd: {  	s0 =	rddreg [dreg:$0x3]  }
0xbe: {  	s0 =	sadd.s32 @!p0 $0x100000, s0  }
0xbf: {  	[sflag:s0] =	ssyncadd.tile.s32 @!p0 $0x1;
	_ =	shalt  }
.Lfunc_end2:
_tile_overlayer_lowered:
.L_overlay_start_2:
0xc0: {  	(tag) =	ssettag $0x2  }
0xc1: {  	s0 =	rddreg [dreg:$0x0];
	s2 =	stileid.u32  }
0xc2: {  	s1 =	rddreg [dreg:$0x1];
	p0 =	sne.s32 s2, $0x0  }
0xc3: {  	s3 =	rddreg [dreg:$0x2];
	[bflag:$0x3] =	sbarrier.arrive $0xFFFF;
	s2 =	simm.s32 @!p0 $0x1C05  }
0xc4: {  	[timem:s3], [sflag:s2] =	dma.local @!p0 [hbm:s0], s1  }
0xc5: {  	s0 =	simm.s32 @!p0 $0x5  }
0xc6: {  	_ =	swait.ge @!p0 [sflag:s0], s1  }
0xc7: {  	s1 =	ssub.s32 @!p0 $0x0, s1;
	[sflag:s0] =	ssyncset.done @!p0 $0x0  }
0xc8: {  	[sflag:s0] =	ssyncadd.s32 @!p0 s1  }
0xc9: {  	[bflag:$0x3] =	sbarrier.arrive $0xFFFF  }
0xca: {  	_ =	shalt  }

</sc_bundles>
